<compile_context>
chip_gen: v7x
topology: tpu7x:2x2x1
jax: 0.10.2.dev20260603
libtpu: 0.0.44.dev20260713+nightly
codegen_flags: <defaults>
</compile_context>

<pallas_src>
import functools

import jax
import jax.numpy as jnp
from jax import lax
from jax.experimental import pallas as pl
from jax.experimental.pallas import tpu as pltpu
from jax.experimental.pallas import tpu_sc as plsc

N = 10000
NPAD = 10240
NW8 = NPAD // 8
E = 160000
NW = 32
EPT = E // NW
CH = 128
K = EPT // CH
TAIL = EPT - K * CH
EPT_D = E // 16
K_D = EPT_D // CH
TAIL_D = EPT_D - K_D * CH
RPT = NPAD // 16
RPW = NPAD // 32

_mesh = plsc.VectorSubcoreMesh(core_axis_name="c", subcore_axis_name="s")
_sc_params = pltpu.CompilerParams(use_tc_tiling_on_sc=False,
                                  needs_layout_passes=False)


@functools.partial(
    pl.kernel,
    out_type=jax.ShapeDtypeStruct((NPAD, 16), jnp.float32),
    mesh=_mesh,
    compiler_params=_sc_params,
    scratch_types=[
        pltpu.VMEM((EPT_D,), jnp.int32),
        pltpu.VMEM((128,), jnp.float32),
        pltpu.VMEM((RPT,), jnp.float32),
        pltpu.VMEM((RPW,), jnp.float32),
        pltpu.VMEM((RPW, 16), jnp.float32),
        pltpu.VMEM_SHARED((NPAD,), jnp.float32),
        pltpu.SemaphoreType.DMA,
    ],
)
def _deg_kernel(ei_hbm, dinvw_hbm,
                idx_v, ones_v, zer_v, dinv_v, dvw_v, deg_sh, sem):
    c = lax.axis_index("c")
    s = lax.axis_index("s")
    wid = c * 16 + s
    one = jnp.ones((16,), jnp.float32)
    zero = jnp.zeros((16,), jnp.float32)

    def fill_ones(i, _):
        ones_v[pl.ds(i * 16, 16)] = one
        return 0

    lax.fori_loop(0, 8, fill_ones, 0)

    def fill_zero(i, _):
        zer_v[pl.ds(i * 16, 16)] = zero
        return 0

    lax.fori_loop(0, RPT // 16, fill_zero, 0)
    pltpu.sync_copy(ei_hbm.at[pl.ds(E + s * EPT_D, EPT_D)], idx_v)
    pltpu.sync_copy(zer_v, deg_sh.at[pl.ds(s * RPT, RPT)])
    plsc.subcore_barrier()

    def fire(j, _):
        pltpu.async_copy(ones_v.at[pl.ds(0, CH)],
                         deg_sh.at[idx_v.at[pl.ds(j * CH, CH)]], sem, add=True)
        return 0

    lax.fori_loop(0, K_D, fire, 0)
    pltpu.async_copy(ones_v.at[pl.ds(0, TAIL_D)],
                     deg_sh.at[idx_v.at[pl.ds(K_D * CH, TAIL_D)]], sem,
                     add=True)

    def drain(j, _):
        pltpu.make_async_copy(ones_v.at[pl.ds(0, CH)],
                              deg_sh.at[idx_v.at[pl.ds(j * CH, CH)]],
                              sem).wait()
        return 0

    lax.fori_loop(0, K_D, drain, 0)
    pltpu.make_async_copy(ones_v.at[pl.ds(0, TAIL_D)],
                          deg_sh.at[idx_v.at[pl.ds(K_D * CH, TAIL_D)]],
                          sem).wait()
    plsc.subcore_barrier()

    pltpu.sync_copy(deg_sh.at[pl.ds(wid * RPW, RPW)], dinv_v)

    def rsqrt_chunk(i, _):
        d = dinv_v[pl.ds(i * 16, 16)] + 1.0
        bits = plsc.bitcast(d, jnp.int32)
        y = plsc.bitcast(0x5F3759DF - lax.shift_right_logical(bits, 1),
                         jnp.float32)
        half = -0.5 * d
        y = y * (1.5 + half * y * y)
        y = y * (1.5 + half * y * y)
        y = y * (1.5 + half * y * y)
        dinv_v[pl.ds(i * 16, 16)] = y
        return 0

    lax.fori_loop(0, RPW // 16, rsqrt_chunk, 0)

    def splat_row(r, _):
        dvw_v[r] = plsc.load_gather(dinv_v, [jnp.full((16,), r, jnp.int32)])
        return 0

    lax.fori_loop(0, RPW, splat_row, 0)
    pltpu.sync_copy(dvw_v, dinvw_hbm.at[pl.ds(wid * RPW, RPW)])


@functools.partial(
    pl.kernel,
    out_type=jax.ShapeDtypeStruct((2, NPAD, 16), jnp.float32),
    mesh=_mesh,
    compiler_params=_sc_params,
    scratch_types=[
        pltpu.VMEM((EPT,), jnp.int32),
        pltpu.VMEM((EPT,), jnp.int32),
        pltpu.VMEM((EPT, 16), jnp.float32),
        pltpu.VMEM((128, 16), jnp.float32),
        pltpu.VMEM_SHARED((NPAD, 16), jnp.float32),
        pltpu.SemaphoreType.DMA,
        pltpu.SemaphoreType.DMA,
        pltpu.SemaphoreType.DMA,
    ],
)
def _agg_kernel(ei_hbm, feat_hbm, out_hbm,
                src_v, dst_v, rows_v, zer_v, acc_sh, semg, sems, semi):
    c = lax.axis_index("c")
    s = lax.axis_index("s")
    wid = c * 16 + s
    zero = jnp.zeros((16,), jnp.float32)

    pltpu.async_copy(ei_hbm.at[pl.ds(wid * EPT, EPT)], src_v, semi)
    pltpu.async_copy(ei_hbm.at[pl.ds(E + wid * EPT, EPT)], dst_v, semi)

    def fill_zero(i, _):
        zer_v[i] = zero
        return 0

    lax.fori_loop(0, 128, fill_zero, 0)

    def zero_acc(t, _):
        pltpu.sync_copy(zer_v, acc_sh.at[pl.ds(s * RPT + t * 128, 128)])
        return 0

    lax.fori_loop(0, RPT // 128, zero_acc, 0)
    pltpu.make_async_copy(ei_hbm.at[pl.ds(wid * EPT, EPT)], src_v, semi).wait()
    pltpu.make_async_copy(ei_hbm.at[pl.ds(wid * EPT, EPT)], dst_v, semi).wait()
    plsc.subcore_barrier()

    KH = K // 2

    def fire_g(j, _):
        pltpu.async_copy(feat_hbm.at[src_v.at[pl.ds(j * CH, CH)]],
                         rows_v.at[pl.ds(j * CH, CH)], semg)
        return 0

    def fire_s(j, _):
        pltpu.async_copy(rows_v.at[pl.ds(j * CH, CH)],
                         acc_sh.at[dst_v.at[pl.ds(j * CH, CH)]], sems, add=True)
        return 0

    lax.fori_loop(0, KH, fire_g, 0)
    pltpu.make_async_copy(feat_hbm.at[pl.ds(0, KH * CH)],
                          rows_v.at[pl.ds(0, KH * CH)], semg).wait()
    lax.fori_loop(0, KH, fire_s, 0)
    lax.fori_loop(KH, K, fire_g, 0)
    pltpu.async_copy(feat_hbm.at[src_v.at[pl.ds(K * CH, TAIL)]],
                     rows_v.at[pl.ds(K * CH, TAIL)], semg)
    pltpu.make_async_copy(feat_hbm.at[pl.ds(0, EPT - KH * CH)],
                          rows_v.at[pl.ds(KH * CH, EPT - KH * CH)], semg).wait()
    lax.fori_loop(KH, K, fire_s, 0)
    pltpu.async_copy(rows_v.at[pl.ds(K * CH, TAIL)],
                     acc_sh.at[dst_v.at[pl.ds(K * CH, TAIL)]], sems, add=True)
    pltpu.make_async_copy(rows_v, acc_sh.at[pl.ds(0, EPT)], sems).wait()
    plsc.subcore_barrier()
    sl = pl.ds(s * RPT, RPT)
    pltpu.sync_copy(acc_sh.at[sl], out_hbm.at[c, sl])


def _tc1a_body(x_ref, w1_ref, xw_ref):
    xw_ref[0:N, :] = jnp.dot(x_ref[...], w1_ref[...],
                             preferred_element_type=jnp.float32)
    xw_ref[N:NPAD, :] = jnp.zeros((NPAD - N, 16), jnp.float32)


def _tc1b_body(xw_ref, dinvw_ref, xs_ref):
    xs_ref[...] = xw_ref[...] * dinvw_ref[...]


def _tc2_body(accp_ref, xs_ref, dinvw_ref, b1_ref, hs_ref):
    a = accp_ref[0] + accp_ref[1]
    dw = dinvw_ref[...]
    b1w = jnp.concatenate([b1_ref[...]] * 8)
    h = jnp.maximum(dw * (a + xs_ref[...]) + b1w, 0.0)
    hs_ref[...] = h * dw


def _tc3_body(accp2_ref, hs_ref, dinvw_ref, w2big_ref, b2_ref, out_ref):
    m = dinvw_ref[...] * (accp2_ref[0] + accp2_ref[1] + hs_ref[...])
    b2w = jnp.concatenate([b2_ref[...]] * 8)
    out_ref[...] = jnp.dot(m, w2big_ref[...],
                           preferred_element_type=jnp.float32) + b2w


def kernel(x, edge_index, W1, b1, W2, b2):
    f32 = jnp.float32
    ei_lin = edge_index.astype(jnp.int32).reshape(2 * E)

    dinvw = _deg_kernel(ei_lin)

    dinvw_w = dinvw.reshape(NW8, 128)
    xw = pl.pallas_call(
        _tc1a_body,
        out_shape=jax.ShapeDtypeStruct((NPAD, 16), f32),
    )(x, W1)
    xs_w = pl.pallas_call(
        _tc1b_body,
        out_shape=jax.ShapeDtypeStruct((NW8, 128), f32),
    )(xw.reshape(NW8, 128), dinvw_w)
    xs = xs_w.reshape(NPAD, 16)

    accp = _agg_kernel(ei_lin, xs)

    hs_w = pl.pallas_call(
        _tc2_body,
        out_shape=jax.ShapeDtypeStruct((NW8, 128), f32),
    )(accp.reshape(2, NW8, 128), xs_w, dinvw_w, b1)

    accp2 = _agg_kernel(ei_lin, hs_w.reshape(NPAD, 16))

    w2big = jnp.kron(jnp.eye(8, dtype=f32), W2.astype(f32))
    out_w = pl.pallas_call(
        _tc3_body,
        out_shape=jax.ShapeDtypeStruct((NW8, 16), f32),
    )(accp2.reshape(2, NW8, 128), hs_w, dinvw_w, w2big, b2)
    return out_w[:N * 2 // 16].reshape(N, 2)

# --- scband reference (transcript-rebuilt; emitter-appended) ---
"""Pipeline reference for scband-gcn-27221502722596 (READ-ONLY COPY).

The authoritative reference and input builder live on the scoring server;
editing this copy changes nothing except your own understanding.
"""

import jax, jax.numpy as jnp
import numpy as np

N_NODES = 10000
D_FEAT = 256
D_HID = 16
D_OUT = 2
N_EDGES = 160000


def _gcn_conv(x, src, dst, W, b):
    # PyG-style GCNConv: add self-loops, symmetric normalization, scatter-add aggregation
    n = x.shape[0]
    loop = jnp.arange(n, dtype=src.dtype)
    s = jnp.concatenate([src, loop])
    d = jnp.concatenate([dst, loop])
    xw = x @ W
    deg = jnp.zeros((n,), dtype=x.dtype).at[d].add(1.0)
    dinv = jnp.where(deg > 0, jax.lax.rsqrt(deg), 0.0)
    norm = dinv[s] * dinv[d]
    msg = xw[s] * norm[:, None]
    out = jnp.zeros((n, W.shape[1]), dtype=x.dtype).at[d].add(msg)
    return out + b


def setup_inputs(seed: int = 0) -> dict:
    key = jax.random.key(seed)
    k_x, k_e, k_w1, k_b1, k_w2, k_b2 = jax.random.split(key, 6)
    x = jax.random.normal(k_x, (N_NODES, D_FEAT), dtype=jnp.float32)
    edge_index = jax.random.randint(k_e, (2, N_EDGES), 0, N_NODES, dtype=jnp.int64)
    # Glorot-style init for linear weights (as in GCNConv), zeros for bias
    W1 = jax.random.normal(k_w1, (D_FEAT, D_HID), dtype=jnp.float32) * (1.0 / np.sqrt(D_FEAT))
    b1 = jnp.zeros((D_HID,), dtype=jnp.float32)
    W2 = jax.random.normal(k_w2, (D_HID, D_OUT), dtype=jnp.float32) * (1.0 / np.sqrt(D_HID))
    b2 = jnp.zeros((D_OUT,), dtype=jnp.float32)
    return {"x": x, "edge_index": edge_index, "W1": W1, "b1": b1, "W2": W2, "b2": b2}


def reference(x, edge_index, W1, b1, W2, b2):
    src = edge_index[0]
    dst = edge_index[1]
    h = _gcn_conv(x, src, dst, W1, b1)
    h = jax.nn.relu(h)
    out = _gcn_conv(h, src, dst, W2, b2)
    return out

if __name__ == "__main__":
    import jax
    _d = setup_inputs()
    print(jax.jit(kernel)(*tuple(_d.values())))

</pallas_src>

<mosaic_0001>
#map = affine_map<(d0, d1) -> (0)>
#map1 = affine_map<(d0, d1) -> (0, 0)>
module attributes {stable_mosaic.version = 14 : i64} {
  func.func @_deg_kernel(%arg0: i32, %arg1: i32, %arg2: memref<320000xi32, #tpu.memory_space<hbm>>, %arg3: memref<10240x16xf32, #tpu.memory_space<hbm>>, %arg4: memref<10000xi32, #tpu.memory_space<vmem>>, %arg5: memref<128xf32, #tpu.memory_space<vmem>>, %arg6: memref<640xf32, #tpu.memory_space<vmem>>, %arg7: memref<320xf32, #tpu.memory_space<vmem>>, %arg8: memref<320x16xf32, #tpu.memory_space<vmem>>, %arg9: memref<10240xf32, #tpu.memory_space<vmem_shared>>, %arg10: memref<!tpu.dma_semaphore, #tpu.memory_space<semaphore_mem>>) attributes {dimension_semantics = [#tpu.dimension_semantics<core_parallel>, #tpu.dimension_semantics<subcore_parallel>], iteration_bounds = array<i64: 2, 16>, scalar_prefetch = 0 : i64, scratch_operands = 7 : i64, tpu.core_type = #tpu.core_type<sc_vector_subcore>, window_params = [{transform_indices = #map}, {transform_indices = #map1}]} {
    %mul3A = arith.constant 16 : i32
    %mul3A_0 = arith.muli %arg0, %mul3A : i32
    %add3A = arith.addi %mul3A_0, %arg1 : i32
    %broadcast_in_dim3A = arith.constant 1.000000e+00 : f32
    %broadcast_in_dim3A_1 = vector.broadcast %broadcast_in_dim3A : f32 to vector<16xf32>
    %broadcast_in_dim3A_2 = arith.constant 0.000000e+00 : f32
    %broadcast_in_dim3A_3 = vector.broadcast %broadcast_in_dim3A_2 : f32 to vector<16xf32>
    %scan3A = arith.constant 0 : i32
    %scan3A_4 = arith.constant 0 : i32
    %scan3A_5 = arith.constant 8 : i32
    %scan3A_6 = arith.addi %scan3A_4, %scan3A_5 : i32
    %scan3A_7 = arith.constant 1 : i32
    %scan3A_8 = scf.for %scan3A_66 = %scan3A_4 to %scan3A_6 step %scan3A_7 iter_args(%scan3A_67 = %scan3A) -> (i32)  : i32 {
      %mul3A_68 = arith.constant 16 : i32
      %mul3A_69 = arith.muli %scan3A_66, %mul3A_68 : i32
      %swap3A = arith.index_cast %mul3A_69 : i32 to index
      %swap3A_70 = tpu.vector_load %arg5[%swap3A] {strides = array<i32>} : memref<128xf32, #tpu.memory_space<vmem>>, vector<16xf32>,
      tpu.vector_store %arg5[%swap3A], %broadcast_in_dim3A_1 {strides = array<i32>} : memref<128xf32, #tpu.memory_space<vmem>>, vector<16xf32>,
      %scan3A_71 = arith.constant 0 : i32
      scf.yield %scan3A_71 : i32
    }
    %scan3A_9 = arith.constant 8 : i32
    %scan3A_10 = arith.constant 0 : i32
    %scan3A_11 = arith.constant 0 : i32
    %scan3A_12 = arith.constant 40 : i32
    %scan3A_13 = arith.addi %scan3A_11, %scan3A_12 : i32
    %scan3A_14 = arith.constant 1 : i32
    %scan3A_15 = scf.for %scan3A_66 = %scan3A_11 to %scan3A_13 step %scan3A_14 iter_args(%scan3A_67 = %scan3A_10) -> (i32)  : i32 {
      %mul3A_68 = arith.constant 16 : i32
      %mul3A_69 = arith.muli %scan3A_66, %mul3A_68 : i32
      %swap3A = arith.index_cast %mul3A_69 : i32 to index
      %swap3A_70 = tpu.vector_load %arg6[%swap3A] {strides = array<i32>} : memref<640xf32, #tpu.memory_space<vmem>>, vector<16xf32>,
      tpu.vector_store %arg6[%swap3A], %broadcast_in_dim3A_3 {strides = array<i32>} : memref<640xf32, #tpu.memory_space<vmem>>, vector<16xf32>,
      %scan3A_71 = arith.constant 0 : i32
      scf.yield %scan3A_71 : i32
    }
    %scan3A_16 = arith.constant 40 : i32
    %mul3A_17 = arith.constant 10000 : i32
    %mul3A_18 = arith.muli %arg1, %mul3A_17 : i32
    %add3A_19 = arith.constant 160000 : i32
    %add3A_20 = arith.addi %add3A_19, %mul3A_18 : i32
    "tpu.region"() ({
      %run_scoped3A = tpu.sem_alloc : memref<!tpu.dma_semaphore, #tpu.memory_space<semaphore_mem>>
      %dma_start3A_66 = tpu.memref_slice %arg2[%add3A_20] : memref<320000xi32, #tpu.memory_space<hbm>> -> memref<10000xi32, #tpu.memory_space<hbm>>
      %dma_start3A_67 = tpu.memref_slice %arg2[%add3A_20] : memref<320000xi32, #tpu.memory_space<hbm>> -> memref<10000xi32, #tpu.memory_space<hbm>>
      tpu.enqueue_dma source(%dma_start3A_67 : memref<10000xi32, #tpu.memory_space<hbm>>) target(%arg4 : memref<10000xi32, #tpu.memory_space<vmem>>) target_semaphore(%run_scoped3A : memref<!tpu.dma_semaphore, #tpu.memory_space<semaphore_mem>>)
      %dma_wait3A_68 = tpu.memref_slice %arg2[%add3A_20] : memref<320000xi32, #tpu.memory_space<hbm>> -> memref<10000xi32, #tpu.memory_space<hbm>>
      %dma_wait3A_69 = tpu.memref_slice %arg2[%add3A_20] : memref<320000xi32, #tpu.memory_space<hbm>> -> memref<10000xi32, #tpu.memory_space<hbm>>
      tpu.wait_dma2 semaphore(%run_scoped3A : memref<!tpu.dma_semaphore, #tpu.memory_space<semaphore_mem>>) src(%dma_wait3A_69 : memref<10000xi32, #tpu.memory_space<hbm>>) dst(%arg4 : memref<10000xi32, #tpu.memory_space<vmem>>)
      tpu.yield
    }) : () -> ()
    %mul3A_21 = arith.constant 640 : i32
    %mul3A_22 = arith.muli %arg1, %mul3A_21 : i32
    "tpu.region"() ({
      %run_scoped3A = tpu.sem_alloc : memref<!tpu.dma_semaphore, #tpu.memory_space<semaphore_mem>>
      %dma_start3A_66 = tpu.memref_slice %arg9[%mul3A_22] : memref<10240xf32, #tpu.memory_space<vmem_shared>> -> memref<640xf32, #tpu.memory_space<vmem_shared>>
      %dma_start3A_67 = tpu.memref_slice %arg9[%mul3A_22] : memref<10240xf32, #tpu.memory_space<vmem_shared>> -> memref<640xf32, #tpu.memory_space<vmem_shared>>
      tpu.enqueue_dma source(%arg6 : memref<640xf32, #tpu.memory_space<vmem>>) target(%dma_start3A_67 : memref<640xf32, #tpu.memory_space<vmem_shared>>) target_semaphore(%run_scoped3A : memref<!tpu.dma_semaphore, #tpu.memory_space<semaphore_mem>>)
      %dma_wait3A_68 = tpu.memref_slice %arg9[%mul3A_22] : memref<10240xf32, #tpu.memory_space<vmem_shared>> -> memref<640xf32, #tpu.memory_space<vmem_shared>>
      %dma_wait3A_69 = tpu.memref_slice %arg9[%mul3A_22] : memref<10240xf32, #tpu.memory_space<vmem_shared>> -> memref<640xf32, #tpu.memory_space<vmem_shared>>
      tpu.wait_dma2 semaphore(%run_scoped3A : memref<!tpu.dma_semaphore, #tpu.memory_space<semaphore_mem>>) src(%arg6 : memref<640xf32, #tpu.memory_space<vmem>>) dst(%dma_wait3A_69 : memref<640xf32, #tpu.memory_space<vmem_shared>>)
      tpu.yield
    }) : () -> ()
    %barrier3A = arith.constant 0 : index
    tpu.barrier barrier_id(%barrier3A)
    %scan3A_23 = arith.constant 0 : i32
    %scan3A_24 = arith.constant 0 : i32
    %scan3A_25 = arith.constant 78 : i32
    %scan3A_26 = arith.addi %scan3A_24, %scan3A_25 : i32
    %scan3A_27 = arith.constant 1 : i32
    %scan3A_28 = scf.for %scan3A_66 = %scan3A_24 to %scan3A_26 step %scan3A_27 iter_args(%scan3A_67 = %scan3A_23) -> (i32)  : i32 {
      %mul3A_68 = arith.constant 128 : i32
      %mul3A_69 = arith.muli %scan3A_66, %mul3A_68 : i32
      %dma_start3A_70 = arith.constant 0 : i32
      %dma_start3A_71 = tpu.memref_slice %arg5[%dma_start3A_70] : memref<128xf32, #tpu.memory_space<vmem>> -> memref<128xf32, #tpu.memory_space<vmem>>
      %dma_start3A_72 = tpu.memref_slice %arg4[%mul3A_69] : memref<10000xi32, #tpu.memory_space<vmem>> -> memref<128xi32, #tpu.memory_space<vmem>>
      %dma_start3A_73 = arith.constant 0 : i32
      %dma_start3A_74 = tpu.memref_slice %arg9[%dma_start3A_73] : memref<10240xf32, #tpu.memory_space<vmem_shared>> -> memref<10240xf32, #tpu.memory_space<vmem_shared>>
      tpu.enqueue_indirect_dma source(%dma_start3A_71 : memref<128xf32, #tpu.memory_space<vmem>>) target(%dma_start3A_74 : memref<10240xf32, #tpu.memory_space<vmem_shared>>) offsets(%dma_start3A_72 : memref<128xi32, #tpu.memory_space<vmem>>) semaphore(%arg10 : memref<!tpu.dma_semaphore, #tpu.memory_space<semaphore_mem>>) {add = true}
      %scan3A_75 = arith.constant 0 : i32
      scf.yield %scan3A_75 : i32
    }
    %scan3A_29 = arith.constant 78 : i32
    %dma_start3A = arith.constant 0 : i32
    %dma_start3A_30 = tpu.memref_slice %arg5[%dma_start3A] : memref<128xf32, #tpu.memory_space<vmem>> -> memref<16xf32, #tpu.memory_space<vmem>>
    %dma_start3A_31 = arith.constant 9984 : i32
    %dma_start3A_32 = tpu.memref_slice %arg4[%dma_start3A_31] : memref<10000xi32, #tpu.memory_space<vmem>> -> memref<16xi32, #tpu.memory_space<vmem>>
    %dma_start3A_33 = arith.constant 0 : i32
    %dma_start3A_34 = tpu.memref_slice %arg9[%dma_start3A_33] : memref<10240xf32, #tpu.memory_space<vmem_shared>> -> memref<10240xf32, #tpu.memory_space<vmem_shared>>
    tpu.enqueue_indirect_dma source(%dma_start3A_30 : memref<16xf32, #tpu.memory_space<vmem>>) target(%dma_start3A_34 : memref<10240xf32, #tpu.memory_space<vmem_shared>>) offsets(%dma_start3A_32 : memref<16xi32, #tpu.memory_space<vmem>>) semaphore(%arg10 : memref<!tpu.dma_semaphore, #tpu.memory_space<semaphore_mem>>) {add = true}
    %scan3A_35 = arith.constant 0 : i32
    %scan3A_36 = arith.constant 0 : i32
    %scan3A_37 = arith.constant 78 : i32
    %scan3A_38 = arith.addi %scan3A_36, %scan3A_37 : i32
    %scan3A_39 = arith.constant 1 : i32
    %scan3A_40 = scf.for %scan3A_66 = %scan3A_36 to %scan3A_38 step %scan3A_39 iter_args(%scan3A_67 = %scan3A_35) -> (i32)  : i32 {
      %mul3A_68 = arith.constant 128 : i32
      %mul3A_69 = arith.muli %scan3A_66, %mul3A_68 : i32
      %dma_wait3A_70 = arith.constant 0 : i32
      %dma_wait3A_71 = tpu.memref_slice %arg5[%dma_wait3A_70] : memref<128xf32, #tpu.memory_space<vmem>> -> memref<128xf32, #tpu.memory_space<vmem>>
      %dma_wait3A_72 = tpu.memref_slice %arg4[%mul3A_69] : memref<10000xi32, #tpu.memory_space<vmem>> -> memref<128xi32, #tpu.memory_space<vmem>>
      %dma_wait3A_73 = arith.constant 0 : i32
      %dma_wait3A_74 = tpu.memref_slice %arg9[%dma_wait3A_73] : memref<10240xf32, #tpu.memory_space<vmem_shared>> -> memref<10240xf32, #tpu.memory_space<vmem_shared>>
      tpu.wait_indirect_dma semaphore(%arg10 : memref<!tpu.dma_semaphore, #tpu.memory_space<semaphore_mem>>) src(%dma_wait3A_71 : memref<128xf32, #tpu.memory_space<vmem>>) dst(%dma_wait3A_74 : memref<10240xf32, #tpu.memory_space<vmem_shared>>)
      %scan3A_75 = arith.constant 0 : i32
      scf.yield %scan3A_75 : i32
    }
    %scan3A_41 = arith.constant 78 : i32
    %dma_wait3A = arith.constant 0 : i32
    %dma_wait3A_42 = tpu.memref_slice %arg5[%dma_wait3A] : memref<128xf32, #tpu.memory_space<vmem>> -> memref<16xf32, #tpu.memory_space<vmem>>
    %dma_wait3A_43 = arith.constant 9984 : i32
    %dma_wait3A_44 = tpu.memref_slice %arg4[%dma_wait3A_43] : memref<10000xi32, #tpu.memory_space<vmem>> -> memref<16xi32, #tpu.memory_space<vmem>>
    %dma_wait3A_45 = arith.constant 0 : i32
    %dma_wait3A_46 = tpu.memref_slice %arg9[%dma_wait3A_45] : memref<10240xf32, #tpu.memory_space<vmem_shared>> -> memref<10240xf32, #tpu.memory_space<vmem_shared>>
    tpu.wait_indirect_dma semaphore(%arg10 : memref<!tpu.dma_semaphore, #tpu.memory_space<semaphore_mem>>) src(%dma_wait3A_42 : memref<16xf32, #tpu.memory_space<vmem>>) dst(%dma_wait3A_46 : memref<10240xf32, #tpu.memory_space<vmem_shared>>)
    %barrier3A_47 = arith.constant 0 : index
    tpu.barrier barrier_id(%barrier3A_47)
    %mul3A_48 = arith.constant 320 : i32
    %mul3A_49 = arith.muli %add3A, %mul3A_48 : i32
    "tpu.region"() ({
      %run_scoped3A = tpu.sem_alloc : memref<!tpu.dma_semaphore, #tpu.memory_space<semaphore_mem>>
      %dma_start3A_66 = tpu.memref_slice %arg9[%mul3A_49] : memref<10240xf32, #tpu.memory_space<vmem_shared>> -> memref<320xf32, #tpu.memory_space<vmem_shared>>
      %dma_start3A_67 = tpu.memref_slice %arg9[%mul3A_49] : memref<10240xf32, #tpu.memory_space<vmem_shared>> -> memref<320xf32, #tpu.memory_space<vmem_shared>>
      tpu.enqueue_dma source(%dma_start3A_67 : memref<320xf32, #tpu.memory_space<vmem_shared>>) target(%arg7 : memref<320xf32, #tpu.memory_space<vmem>>) target_semaphore(%run_scoped3A : memref<!tpu.dma_semaphore, #tpu.memory_space<semaphore_mem>>)
      %dma_wait3A_68 = tpu.memref_slice %arg9[%mul3A_49] : memref<10240xf32, #tpu.memory_space<vmem_shared>> -> memref<320xf32, #tpu.memory_space<vmem_shared>>
      %dma_wait3A_69 = tpu.memref_slice %arg9[%mul3A_49] : memref<10240xf32, #tpu.memory_space<vmem_shared>> -> memref<320xf32, #tpu.memory_space<vmem_shared>>
      tpu.wait_dma2 semaphore(%run_scoped3A : memref<!tpu.dma_semaphore, #tpu.memory_space<semaphore_mem>>) src(%dma_wait3A_69 : memref<320xf32, #tpu.memory_space<vmem_shared>>) dst(%arg7 : memref<320xf32, #tpu.memory_space<vmem>>)
      tpu.yield
    }) : () -> ()
    %scan3A_50 = arith.constant 0 : i32
    %scan3A_51 = arith.constant 0 : i32
    %scan3A_52 = arith.constant 20 : i32
    %scan3A_53 = arith.addi %scan3A_51, %scan3A_52 : i32
    %scan3A_54 = arith.constant 1 : i32
    %scan3A_55 = scf.for %scan3A_66 = %scan3A_51 to %scan3A_53 step %scan3A_54 iter_args(%scan3A_67 = %scan3A_50) -> (i32)  : i32 {
      %mul3A_68 = arith.constant 16 : i32
      %mul3A_69 = arith.muli %scan3A_66, %mul3A_68 : i32
      %get3A = arith.index_cast %mul3A_69 : i32 to index
      %get3A_70 = tpu.vector_load %arg7[%get3A] {strides = array<i32>} : memref<320xf32, #tpu.memory_space<vmem>>, vector<16xf32>,
      %add3A_71 = arith.constant 1.000000e+00 : f32
      %add3A_72 = vector.broadcast %add3A_71 : f32 to vector<16xf32>
      %add3A_73 = arith.addf %get3A_70, %add3A_72 : vector<16xf32>
      %bitcast3A = vector.bitcast %add3A_73 : vector<16xf32> to vector<16xi32>
      %shift_right_logical3A = arith.constant 1 : i32
      %shift_right_logical3A_74 = vector.broadcast %shift_right_logical3A : i32 to vector<16xi32>
      %shift_right_logical3A_75 = arith.shrui %bitcast3A, %shift_right_logical3A_74 : vector<16xi32>
      %sub3A = arith.constant 1597463007 : i32
      %sub3A_76 = vector.broadcast %sub3A : i32 to vector<16xi32>
      %sub3A_77 = arith.subi %sub3A_76, %shift_right_logical3A_75 : vector<16xi32>
      %bitcast3A_78 = vector.bitcast %sub3A_77 : vector<16xi32> to vector<16xf32>
      %mul3A_79 = arith.constant -5.000000e-01 : f32
      %mul3A_80 = vector.broadcast %mul3A_79 : f32 to vector<16xf32>
      %mul3A_81 = arith.mulf %mul3A_80, %add3A_73 : vector<16xf32>
      %mul3A_82 = arith.mulf %mul3A_81, %bitcast3A_78 : vector<16xf32>
      %mul3A_83 = arith.mulf %mul3A_82, %bitcast3A_78 : vector<16xf32>
      %add3A_84 = arith.constant 1.500000e+00 : f32
      %add3A_85 = vector.broadcast %add3A_84 : f32 to vector<16xf32>
      %add3A_86 = arith.addf %add3A_85, %mul3A_83 : vector<16xf32>
      %mul3A_87 = arith.mulf %bitcast3A_78, %add3A_86 : vector<16xf32>
      %mul3A_88 = arith.mulf %mul3A_81, %mul3A_87 : vector<16xf32>
      %mul3A_89 = arith.mulf %mul3A_88, %mul3A_87 : vector<16xf32>
      %add3A_90 = arith.constant 1.500000e+00 : f32
      %add3A_91 = vector.broadcast %add3A_90 : f32 to vector<16xf32>
      %add3A_92 = arith.addf %add3A_91, %mul3A_89 : vector<16xf32>
      %mul3A_93 = arith.mulf %mul3A_87, %add3A_92 : vector<16xf32>
      %mul3A_94 = arith.mulf %mul3A_81, %mul3A_93 : vector<16xf32>
      %mul3A_95 = arith.mulf %mul3A_94, %mul3A_93 : vector<16xf32>
      %add3A_96 = arith.constant 1.500000e+00 : f32
      %add3A_97 = vector.broadcast %add3A_96 : f32 to vector<16xf32>
      %add3A_98 = arith.addf %add3A_97, %mul3A_95 : vector<16xf32>
      %mul3A_99 = arith.mulf %mul3A_93, %add3A_98 : vector<16xf32>
      %mul3A_100 = arith.constant 16 : i32
      %mul3A_101 = arith.muli %scan3A_66, %mul3A_100 : i32
      %swap3A = arith.index_cast %mul3A_101 : i32 to index
      %swap3A_102 = tpu.vector_load %arg7[%swap3A] {strides = array<i32>} : memref<320xf32, #tpu.memory_space<vmem>>, vector<16xf32>,
      tpu.vector_store %arg7[%swap3A], %mul3A_99 {strides = array<i32>} : memref<320xf32, #tpu.memory_space<vmem>>, vector<16xf32>,
      %scan3A_103 = arith.constant 0 : i32
      scf.yield %scan3A_103 : i32
    }
    %scan3A_56 = arith.constant 20 : i32
    %scan3A_57 = arith.constant 0 : i32
    %scan3A_58 = arith.constant 0 : i32
    %scan3A_59 = arith.constant 320 : i32
    %scan3A_60 = arith.addi %scan3A_58, %scan3A_59 : i32
    %scan3A_61 = arith.constant 1 : i32
    %scan3A_62 = scf.for %scan3A_66 = %scan3A_58 to %scan3A_60 step %scan3A_61 iter_args(%scan3A_67 = %scan3A_57) -> (i32)  : i32 {
      %broadcast_in_dim3A_68 = vector.broadcast %scan3A_66 : i32 to vector<16xi32>
      %gather3A = tpu.vector_load_idx %arg7[%broadcast_in_dim3A_68] : memref<320xf32, #tpu.memory_space<vmem>>[vector<16xi32>], vector<16xf32>,
      %swap3A = arith.index_cast %scan3A_66 : i32 to index
      %swap3A_69 = arith.constant 0 : index
      %swap3A_70 = tpu.vector_load %arg8[%swap3A, %swap3A_69] {strides = array<i32>} : memref<320x16xf32, #tpu.memory_space<vmem>>, vector<16xf32>,
      tpu.vector_store %arg8[%swap3A, %swap3A_69], %gather3A {strides = array<i32>} : memref<320x16xf32, #tpu.memory_space<vmem>>, vector<16xf32>,
      %scan3A_71 = arith.constant 0 : i32
      scf.yield %scan3A_71 : i32
    }
    %scan3A_63 = arith.constant 320 : i32
    %mul3A_64 = arith.constant 320 : i32
    %mul3A_65 = arith.muli %add3A, %mul3A_64 : i32
    "tpu.region"() ({
      %run_scoped3A = tpu.sem_alloc : memref<!tpu.dma_semaphore, #tpu.memory_space<semaphore_mem>>
      %dma_start3A_66 = arith.constant 0 : i32
      %dma_start3A_67 = tpu.memref_slice %arg3[%mul3A_65, %dma_start3A_66] : memref<10240x16xf32, #tpu.memory_space<hbm>> -> memref<320x16xf32, #tpu.memory_space<hbm>>
      %dma_start3A_68 = arith.constant 0 : i32
      %dma_start3A_69 = tpu.memref_slice %arg3[%mul3A_65, %dma_start3A_68] : memref<10240x16xf32, #tpu.memory_space<hbm>> -> memref<320x16xf32, #tpu.memory_space<hbm>>
      tpu.enqueue_dma source(%arg8 : memref<320x16xf32, #tpu.memory_space<vmem>>) target(%dma_start3A_69 : memref<320x16xf32, #tpu.memory_space<hbm>>) target_semaphore(%run_scoped3A : memref<!tpu.dma_semaphore, #tpu.memory_space<semaphore_mem>>)
      %dma_wait3A_70 = arith.constant 0 : i32
      %dma_wait3A_71 = tpu.memref_slice %arg3[%mul3A_65, %dma_wait3A_70] : memref<10240x16xf32, #tpu.memory_space<hbm>> -> memref<320x16xf32, #tpu.memory_space<hbm>>
      %dma_wait3A_72 = arith.constant 0 : i32
      %dma_wait3A_73 = tpu.memref_slice %arg3[%mul3A_65, %dma_wait3A_72] : memref<10240x16xf32, #tpu.memory_space<hbm>> -> memref<320x16xf32, #tpu.memory_space<hbm>>
      tpu.wait_dma2 semaphore(%run_scoped3A : memref<!tpu.dma_semaphore, #tpu.memory_space<semaphore_mem>>) src(%arg8 : memref<320x16xf32, #tpu.memory_space<vmem>>) dst(%dma_wait3A_73 : memref<320x16xf32, #tpu.memory_space<hbm>>)
      tpu.yield
    }) : () -> ()
    return
  }
}

#map = affine_map<(d0, d1) -> (0)>
#map1 = affine_map<(d0, d1) -> (0, 0)>
#map2 = affine_map<(d0, d1) -> (0, 0, 0)>
module attributes {stable_mosaic.version = 14 : i64} {
  func.func @_agg_kernel(%arg0: i32, %arg1: i32, %arg2: memref<320000xi32, #tpu.memory_space<hbm>>, %arg3: memref<10240x16xf32, #tpu.memory_space<hbm>>, %arg4: memref<2x10240x16xf32, #tpu.memory_space<hbm>>, %arg5: memref<5000xi32, #tpu.memory_space<vmem>>, %arg6: memref<5000xi32, #tpu.memory_space<vmem>>, %arg7: memref<5000x16xf32, #tpu.memory_space<vmem>>, %arg8: memref<128x16xf32, #tpu.memory_space<vmem>>, %arg9: memref<10240x16xf32, #tpu.memory_space<vmem_shared>>, %arg10: memref<!tpu.dma_semaphore, #tpu.memory_space<semaphore_mem>>, %arg11: memref<!tpu.dma_semaphore, #tpu.memory_space<semaphore_mem>>, %arg12: memref<!tpu.dma_semaphore, #tpu.memory_space<semaphore_mem>>) attributes {dimension_semantics = [#tpu.dimension_semantics<core_parallel>, #tpu.dimension_semantics<subcore_parallel>], iteration_bounds = array<i64: 2, 16>, scalar_prefetch = 0 : i64, scratch_operands = 8 : i64, tpu.core_type = #tpu.core_type<sc_vector_subcore>, window_params = [{transform_indices = #map}, {transform_indices = #map1}, {transform_indices = #map2}]} {
    %mul3A = arith.constant 16 : i32
    %mul3A_0 = arith.muli %arg0, %mul3A : i32
    %add3A = arith.addi %mul3A_0, %arg1 : i32
    %broadcast_in_dim3A = arith.constant 0.000000e+00 : f32
    %broadcast_in_dim3A_1 = vector.broadcast %broadcast_in_dim3A : f32 to vector<16xf32>
    %mul3A_2 = arith.constant 5000 : i32
    %mul3A_3 = arith.muli %add3A, %mul3A_2 : i32
    %dma_start3A = tpu.memref_slice %arg2[%mul3A_3] : memref<320000xi32, #tpu.memory_space<hbm>> -> memref<5000xi32, #tpu.memory_space<hbm>>
    %dma_start3A_4 = tpu.memref_slice %arg2[%mul3A_3] : memref<320000xi32, #tpu.memory_space<hbm>> -> memref<5000xi32, #tpu.memory_space<hbm>>
    tpu.enqueue_dma source(%dma_start3A_4 : memref<5000xi32, #tpu.memory_space<hbm>>) target(%arg5 : memref<5000xi32, #tpu.memory_space<vmem>>) target_semaphore(%arg12 : memref<!tpu.dma_semaphore, #tpu.memory_space<semaphore_mem>>)
    %mul3A_5 = arith.constant 5000 : i32
    %mul3A_6 = arith.muli %add3A, %mul3A_5 : i32
    %add3A_7 = arith.constant 160000 : i32
    %add3A_8 = arith.addi %add3A_7, %mul3A_6 : i32
    %dma_start3A_9 = tpu.memref_slice %arg2[%add3A_8] : memref<320000xi32, #tpu.memory_space<hbm>> -> memref<5000xi32, #tpu.memory_space<hbm>>
    %dma_start3A_10 = tpu.memref_slice %arg2[%add3A_8] : memref<320000xi32, #tpu.memory_space<hbm>> -> memref<5000xi32, #tpu.memory_space<hbm>>
    tpu.enqueue_dma source(%dma_start3A_10 : memref<5000xi32, #tpu.memory_space<hbm>>) target(%arg6 : memref<5000xi32, #tpu.memory_space<vmem>>) target_semaphore(%arg12 : memref<!tpu.dma_semaphore, #tpu.memory_space<semaphore_mem>>)
    %scan3A = arith.constant 0 : i32
    %scan3A_11 = arith.constant 0 : i32
    %scan3A_12 = arith.constant 128 : i32
    %scan3A_13 = arith.addi %scan3A_11, %scan3A_12 : i32
    %scan3A_14 = arith.constant 1 : i32
    %scan3A_15 = scf.for %scan3A_108 = %scan3A_11 to %scan3A_13 step %scan3A_14 iter_args(%scan3A_109 = %scan3A) -> (i32)  : i32 {
      %swap3A = arith.index_cast %scan3A_108 : i32 to index
      %swap3A_110 = arith.constant 0 : index
      %swap3A_111 = tpu.vector_load %arg8[%swap3A, %swap3A_110] {strides = array<i32>} : memref<128x16xf32, #tpu.memory_space<vmem>>, vector<16xf32>,
      tpu.vector_store %arg8[%swap3A, %swap3A_110], %broadcast_in_dim3A_1 {strides = array<i32>} : memref<128x16xf32, #tpu.memory_space<vmem>>, vector<16xf32>,
      %scan3A_112 = arith.constant 0 : i32
      scf.yield %scan3A_112 : i32
    }
    %scan3A_16 = arith.constant 128 : i32
    %scan3A_17 = arith.constant 0 : i32
    %scan3A_18 = arith.constant 0 : i32
    %scan3A_19 = arith.constant 5 : i32
    %scan3A_20 = arith.addi %scan3A_18, %scan3A_19 : i32
    %scan3A_21 = arith.constant 1 : i32
    %scan3A_22 = scf.for %scan3A_108 = %scan3A_18 to %scan3A_20 step %scan3A_21 iter_args(%scan3A_109 = %scan3A_17) -> (i32)  : i32 {
      %mul3A_110 = arith.constant 640 : i32
      %mul3A_111 = arith.muli %arg1, %mul3A_110 : i32
      %mul3A_112 = arith.constant 128 : i32
      %mul3A_113 = arith.muli %scan3A_108, %mul3A_112 : i32
      %add3A_114 = arith.addi %mul3A_111, %mul3A_113 : i32
      "tpu.region"() ({
        %run_scoped3A = tpu.sem_alloc : memref<!tpu.dma_semaphore, #tpu.memory_space<semaphore_mem>>
        %dma_start3A_116 = arith.constant 0 : i32
        %dma_start3A_117 = tpu.memref_slice %arg9[%add3A_114, %dma_start3A_116] : memref<10240x16xf32, #tpu.memory_space<vmem_shared>> -> memref<128x16xf32, #tpu.memory_space<vmem_shared>>
        %dma_start3A_118 = arith.constant 0 : i32
        %dma_start3A_119 = tpu.memref_slice %arg9[%add3A_114, %dma_start3A_118] : memref<10240x16xf32, #tpu.memory_space<vmem_shared>> -> memref<128x16xf32, #tpu.memory_space<vmem_shared>>
        tpu.enqueue_dma source(%arg8 : memref<128x16xf32, #tpu.memory_space<vmem>>) target(%dma_start3A_119 : memref<128x16xf32, #tpu.memory_space<vmem_shared>>) target_semaphore(%run_scoped3A : memref<!tpu.dma_semaphore, #tpu.memory_space<semaphore_mem>>)
        %dma_wait3A_120 = arith.constant 0 : i32
        %dma_wait3A_121 = tpu.memref_slice %arg9[%add3A_114, %dma_wait3A_120] : memref<10240x16xf32, #tpu.memory_space<vmem_shared>> -> memref<128x16xf32, #tpu.memory_space<vmem_shared>>
        %dma_wait3A_122 = arith.constant 0 : i32
        %dma_wait3A_123 = tpu.memref_slice %arg9[%add3A_114, %dma_wait3A_122] : memref<10240x16xf32, #tpu.memory_space<vmem_shared>> -> memref<128x16xf32, #tpu.memory_space<vmem_shared>>
        tpu.wait_dma2 semaphore(%run_scoped3A : memref<!tpu.dma_semaphore, #tpu.memory_space<semaphore_mem>>) src(%arg8 : memref<128x16xf32, #tpu.memory_space<vmem>>) dst(%dma_wait3A_123 : memref<128x16xf32, #tpu.memory_space<vmem_shared>>)
        tpu.yield
      }) : () -> ()
      %scan3A_115 = arith.constant 0 : i32
      scf.yield %scan3A_115 : i32
    }
    %scan3A_23 = arith.constant 5 : i32
    %mul3A_24 = arith.constant 5000 : i32
    %mul3A_25 = arith.muli %add3A, %mul3A_24 : i32
    %dma_wait3A = tpu.memref_slice %arg2[%mul3A_25] : memref<320000xi32, #tpu.memory_space<hbm>> -> memref<5000xi32, #tpu.memory_space<hbm>>
    %dma_wait3A_26 = tpu.memref_slice %arg2[%mul3A_25] : memref<320000xi32, #tpu.memory_space<hbm>> -> memref<5000xi32, #tpu.memory_space<hbm>>
    tpu.wait_dma2 semaphore(%arg12 : memref<!tpu.dma_semaphore, #tpu.memory_space<semaphore_mem>>) src(%dma_wait3A_26 : memref<5000xi32, #tpu.memory_space<hbm>>) dst(%arg5 : memref<5000xi32, #tpu.memory_space<vmem>>)
    %mul3A_27 = arith.constant 5000 : i32
    %mul3A_28 = arith.muli %add3A, %mul3A_27 : i32
    %dma_wait3A_29 = tpu.memref_slice %arg2[%mul3A_28] : memref<320000xi32, #tpu.memory_space<hbm>> -> memref<5000xi32, #tpu.memory_space<hbm>>
    %dma_wait3A_30 = tpu.memref_slice %arg2[%mul3A_28] : memref<320000xi32, #tpu.memory_space<hbm>> -> memref<5000xi32, #tpu.memory_space<hbm>>
    tpu.wait_dma2 semaphore(%arg12 : memref<!tpu.dma_semaphore, #tpu.memory_space<semaphore_mem>>) src(%dma_wait3A_30 : memref<5000xi32, #tpu.memory_space<hbm>>) dst(%arg6 : memref<5000xi32, #tpu.memory_space<vmem>>)
    %barrier3A = arith.constant 0 : index
    tpu.barrier barrier_id(%barrier3A)
    %scan3A_31 = arith.constant 0 : i32
    %scan3A_32 = arith.constant 0 : i32
    %scan3A_33 = arith.constant 19 : i32
    %scan3A_34 = arith.addi %scan3A_32, %scan3A_33 : i32
    %scan3A_35 = arith.constant 1 : i32
    %scan3A_36 = scf.for %scan3A_108 = %scan3A_32 to %scan3A_34 step %scan3A_35 iter_args(%scan3A_109 = %scan3A_31) -> (i32)  : i32 {
      %mul3A_110 = arith.constant 128 : i32
      %mul3A_111 = arith.muli %scan3A_108, %mul3A_110 : i32
      %mul3A_112 = arith.constant 128 : i32
      %mul3A_113 = arith.muli %scan3A_108, %mul3A_112 : i32
      %dma_start3A_114 = arith.constant 0 : i32
      %dma_start3A_115 = tpu.memref_slice %arg7[%mul3A_113, %dma_start3A_114] : memref<5000x16xf32, #tpu.memory_space<vmem>> -> memref<128x16xf32, #tpu.memory_space<vmem>>
      %dma_start3A_116 = tpu.memref_slice %arg5[%mul3A_111] : memref<5000xi32, #tpu.memory_space<vmem>> -> memref<128xi32, #tpu.memory_space<vmem>>
      %dma_start3A_117 = arith.constant 0 : i32
      %dma_start3A_118 = arith.constant 0 : i32
      %dma_start3A_119 = tpu.memref_slice %arg3[%dma_start3A_117, %dma_start3A_118] : memref<10240x16xf32, #tpu.memory_space<hbm>> -> memref<10240x16xf32, #tpu.memory_space<hbm>>
      tpu.enqueue_indirect_dma source(%dma_start3A_119 : memref<10240x16xf32, #tpu.memory_space<hbm>>) target(%dma_start3A_115 : memref<128x16xf32, #tpu.memory_space<vmem>>) offsets(%dma_start3A_116 : memref<128xi32, #tpu.memory_space<vmem>>) semaphore(%arg10 : memref<!tpu.dma_semaphore, #tpu.memory_space<semaphore_mem>>)
      %scan3A_120 = arith.constant 0 : i32
      scf.yield %scan3A_120 : i32
    }
    %scan3A_37 = arith.constant 19 : i32
    %dma_wait3A_38 = arith.constant 0 : i32
    %dma_wait3A_39 = arith.constant 0 : i32
    %dma_wait3A_40 = tpu.memref_slice %arg7[%dma_wait3A_38, %dma_wait3A_39] : memref<5000x16xf32, #tpu.memory_space<vmem>> -> memref<2432x16xf32, #tpu.memory_space<vmem>>
    %dma_wait3A_41 = arith.constant 0 : i32
    %dma_wait3A_42 = arith.constant 0 : i32
    %dma_wait3A_43 = tpu.memref_slice %arg3[%dma_wait3A_41, %dma_wait3A_42] : memref<10240x16xf32, #tpu.memory_space<hbm>> -> memref<2432x16xf32, #tpu.memory_space<hbm>>
    %dma_wait3A_44 = arith.constant 0 : i32
    %dma_wait3A_45 = arith.constant 0 : i32
    %dma_wait3A_46 = tpu.memref_slice %arg7[%dma_wait3A_44, %dma_wait3A_45] : memref<5000x16xf32, #tpu.memory_space<vmem>> -> memref<2432x16xf32, #tpu.memory_space<vmem>>
    %dma_wait3A_47 = arith.constant 0 : i32
    %dma_wait3A_48 = arith.constant 0 : i32
    %dma_wait3A_49 = tpu.memref_slice %arg3[%dma_wait3A_47, %dma_wait3A_48] : memref<10240x16xf32, #tpu.memory_space<hbm>> -> memref<2432x16xf32, #tpu.memory_space<hbm>>
    tpu.wait_dma2 semaphore(%arg10 : memref<!tpu.dma_semaphore, #tpu.memory_space<semaphore_mem>>) src(%dma_wait3A_49 : memref<2432x16xf32, #tpu.memory_space<hbm>>) dst(%dma_wait3A_46 : memref<2432x16xf32, #tpu.memory_space<vmem>>)
    %scan3A_50 = arith.constant 0 : i32
    %scan3A_51 = arith.constant 0 : i32
    %scan3A_52 = arith.constant 19 : i32
    %scan3A_53 = arith.addi %scan3A_51, %scan3A_52 : i32
    %scan3A_54 = arith.constant 1 : i32
    %scan3A_55 = scf.for %scan3A_108 = %scan3A_51 to %scan3A_53 step %scan3A_54 iter_args(%scan3A_109 = %scan3A_50) -> (i32)  : i32 {
      %mul3A_110 = arith.constant 128 : i32
      %mul3A_111 = arith.muli %scan3A_108, %mul3A_110 : i32
      %mul3A_112 = arith.constant 128 : i32
      %mul3A_113 = arith.muli %scan3A_108, %mul3A_112 : i32
      %dma_start3A_114 = arith.constant 0 : i32
      %dma_start3A_115 = tpu.memref_slice %arg7[%mul3A_111, %dma_start3A_114] : memref<5000x16xf32, #tpu.memory_space<vmem>> -> memref<128x16xf32, #tpu.memory_space<vmem>>
      %dma_start3A_116 = tpu.memref_slice %arg6[%mul3A_113] : memref<5000xi32, #tpu.memory_space<vmem>> -> memref<128xi32, #tpu.memory_space<vmem>>
      %dma_start3A_117 = arith.constant 0 : i32
      %dma_start3A_118 = arith.constant 0 : i32
      %dma_start3A_119 = tpu.memref_slice %arg9[%dma_start3A_117, %dma_start3A_118] : memref<10240x16xf32, #tpu.memory_space<vmem_shared>> -> memref<10240x16xf32, #tpu.memory_space<vmem_shared>>
      tpu.enqueue_indirect_dma source(%dma_start3A_115 : memref<128x16xf32, #tpu.memory_space<vmem>>) target(%dma_start3A_119 : memref<10240x16xf32, #tpu.memory_space<vmem_shared>>) offsets(%dma_start3A_116 : memref<128xi32, #tpu.memory_space<vmem>>) semaphore(%arg11 : memref<!tpu.dma_semaphore, #tpu.memory_space<semaphore_mem>>) {add = true}
      %scan3A_120 = arith.constant 0 : i32
      scf.yield %scan3A_120 : i32
    }
    %scan3A_56 = arith.constant 19 : i32
    %scan3A_57 = arith.constant 0 : i32
    %scan3A_58 = arith.constant 19 : i32
    %scan3A_59 = arith.constant 20 : i32
    %scan3A_60 = arith.addi %scan3A_58, %scan3A_59 : i32
    %scan3A_61 = arith.constant 1 : i32
    %scan3A_62 = scf.for %scan3A_108 = %scan3A_58 to %scan3A_60 step %scan3A_61 iter_args(%scan3A_109 = %scan3A_57) -> (i32)  : i32 {
      %mul3A_110 = arith.constant 128 : i32
      %mul3A_111 = arith.muli %scan3A_108, %mul3A_110 : i32
      %mul3A_112 = arith.constant 128 : i32
      %mul3A_113 = arith.muli %scan3A_108, %mul3A_112 : i32
      %dma_start3A_114 = arith.constant 0 : i32
      %dma_start3A_115 = tpu.memref_slice %arg7[%mul3A_113, %dma_start3A_114] : memref<5000x16xf32, #tpu.memory_space<vmem>> -> memref<128x16xf32, #tpu.memory_space<vmem>>
      %dma_start3A_116 = tpu.memref_slice %arg5[%mul3A_111] : memref<5000xi32, #tpu.memory_space<vmem>> -> memref<128xi32, #tpu.memory_space<vmem>>
      %dma_start3A_117 = arith.constant 0 : i32
      %dma_start3A_118 = arith.constant 0 : i32
      %dma_start3A_119 = tpu.memref_slice %arg3[%dma_start3A_117, %dma_start3A_118] : memref<10240x16xf32, #tpu.memory_space<hbm>> -> memref<10240x16xf32, #tpu.memory_space<hbm>>
      tpu.enqueue_indirect_dma source(%dma_start3A_119 : memref<10240x16xf32, #tpu.memory_space<hbm>>) target(%dma_start3A_115 : memref<128x16xf32, #tpu.memory_space<vmem>>) offsets(%dma_start3A_116 : memref<128xi32, #tpu.memory_space<vmem>>) semaphore(%arg10 : memref<!tpu.dma_semaphore, #tpu.memory_space<semaphore_mem>>)
      %scan3A_120 = arith.constant 0 : i32
      scf.yield %scan3A_120 : i32
    }
    %scan3A_63 = arith.constant 20 : i32
    %dma_start3A_64 = arith.constant 4992 : i32
    %dma_start3A_65 = arith.constant 0 : i32
    %dma_start3A_66 = tpu.memref_slice %arg7[%dma_start3A_64, %dma_start3A_65] : memref<5000x16xf32, #tpu.memory_space<vmem>> -> memref<8x16xf32, #tpu.memory_space<vmem>>
    %dma_start3A_67 = arith.constant 4992 : i32
    %dma_start3A_68 = tpu.memref_slice %arg5[%dma_start3A_67] : memref<5000xi32, #tpu.memory_space<vmem>> -> memref<8xi32, #tpu.memory_space<vmem>>
    %dma_start3A_69 = arith.constant 0 : i32
    %dma_start3A_70 = arith.constant 0 : i32
    %dma_start3A_71 = tpu.memref_slice %arg3[%dma_start3A_69, %dma_start3A_70] : memref<10240x16xf32, #tpu.memory_space<hbm>> -> memref<10240x16xf32, #tpu.memory_space<hbm>>
    tpu.enqueue_indirect_dma source(%dma_start3A_71 : memref<10240x16xf32, #tpu.memory_space<hbm>>) target(%dma_start3A_66 : memref<8x16xf32, #tpu.memory_space<vmem>>) offsets(%dma_start3A_68 : memref<8xi32, #tpu.memory_space<vmem>>) semaphore(%arg10 : memref<!tpu.dma_semaphore, #tpu.memory_space<semaphore_mem>>)
    %dma_wait3A_72 = arith.constant 2432 : i32
    %dma_wait3A_73 = arith.constant 0 : i32
    %dma_wait3A_74 = tpu.memref_slice %arg7[%dma_wait3A_72, %dma_wait3A_73] : memref<5000x16xf32, #tpu.memory_space<vmem>> -> memref<2568x16xf32, #tpu.memory_space<vmem>>
    %dma_wait3A_75 = arith.constant 0 : i32
    %dma_wait3A_76 = arith.constant 0 : i32
    %dma_wait3A_77 = tpu.memref_slice %arg3[%dma_wait3A_75, %dma_wait3A_76] : memref<10240x16xf32, #tpu.memory_space<hbm>> -> memref<2568x16xf32, #tpu.memory_space<hbm>>
    %dma_wait3A_78 = arith.constant 2432 : i32
    %dma_wait3A_79 = arith.constant 0 : i32
    %dma_wait3A_80 = tpu.memref_slice %arg7[%dma_wait3A_78, %dma_wait3A_79] : memref<5000x16xf32, #tpu.memory_space<vmem>> -> memref<2568x16xf32, #tpu.memory_space<vmem>>
    %dma_wait3A_81 = arith.constant 0 : i32
    %dma_wait3A_82 = arith.constant 0 : i32
    %dma_wait3A_83 = tpu.memref_slice %arg3[%dma_wait3A_81, %dma_wait3A_82] : memref<10240x16xf32, #tpu.memory_space<hbm>> -> memref<2568x16xf32, #tpu.memory_space<hbm>>
    tpu.wait_dma2 semaphore(%arg10 : memref<!tpu.dma_semaphore, #tpu.memory_space<semaphore_mem>>) src(%dma_wait3A_83 : memref<2568x16xf32, #tpu.memory_space<hbm>>) dst(%dma_wait3A_80 : memref<2568x16xf32, #tpu.memory_space<vmem>>)
    %scan3A_84 = arith.constant 0 : i32
    %scan3A_85 = arith.constant 19 : i32
    %scan3A_86 = arith.constant 20 : i32
    %scan3A_87 = arith.addi %scan3A_85, %scan3A_86 : i32
    %scan3A_88 = arith.constant 1 : i32
    %scan3A_89 = scf.for %scan3A_108 = %scan3A_85 to %scan3A_87 step %scan3A_88 iter_args(%scan3A_109 = %scan3A_84) -> (i32)  : i32 {
      %mul3A_110 = arith.constant 128 : i32
      %mul3A_111 = arith.muli %scan3A_108, %mul3A_110 : i32
      %mul3A_112 = arith.constant 128 : i32
      %mul3A_113 = arith.muli %scan3A_108, %mul3A_112 : i32
      %dma_start3A_114 = arith.constant 0 : i32
      %dma_start3A_115 = tpu.memref_slice %arg7[%mul3A_111, %dma_start3A_114] : memref<5000x16xf32, #tpu.memory_space<vmem>> -> memref<128x16xf32, #tpu.memory_space<vmem>>
      %dma_start3A_116 = tpu.memref_slice %arg6[%mul3A_113] : memref<5000xi32, #tpu.memory_space<vmem>> -> memref<128xi32, #tpu.memory_space<vmem>>
      %dma_start3A_117 = arith.constant 0 : i32
      %dma_start3A_118 = arith.constant 0 : i32
      %dma_start3A_119 = tpu.memref_slice %arg9[%dma_start3A_117, %dma_start3A_118] : memref<10240x16xf32, #tpu.memory_space<vmem_shared>> -> memref<10240x16xf32, #tpu.memory_space<vmem_shared>>
      tpu.enqueue_indirect_dma source(%dma_start3A_115 : memref<128x16xf32, #tpu.memory_space<vmem>>) target(%dma_start3A_119 : memref<10240x16xf32, #tpu.memory_space<vmem_shared>>) offsets(%dma_start3A_116 : memref<128xi32, #tpu.memory_space<vmem>>) semaphore(%arg11 : memref<!tpu.dma_semaphore, #tpu.memory_space<semaphore_mem>>) {add = true}
      %scan3A_120 = arith.constant 0 : i32
      scf.yield %scan3A_120 : i32
    }
    %scan3A_90 = arith.constant 20 : i32
    %dma_start3A_91 = arith.constant 4992 : i32
    %dma_start3A_92 = arith.constant 0 : i32
    %dma_start3A_93 = tpu.memref_slice %arg7[%dma_start3A_91, %dma_start3A_92] : memref<5000x16xf32, #tpu.memory_space<vmem>> -> memref<8x16xf32, #tpu.memory_space<vmem>>
    %dma_start3A_94 = arith.constant 4992 : i32
    %dma_start3A_95 = tpu.memref_slice %arg6[%dma_start3A_94] : memref<5000xi32, #tpu.memory_space<vmem>> -> memref<8xi32, #tpu.memory_space<vmem>>
    %dma_start3A_96 = arith.constant 0 : i32
    %dma_start3A_97 = arith.constant 0 : i32
    %dma_start3A_98 = tpu.memref_slice %arg9[%dma_start3A_96, %dma_start3A_97] : memref<10240x16xf32, #tpu.memory_space<vmem_shared>> -> memref<10240x16xf32, #tpu.memory_space<vmem_shared>>
    tpu.enqueue_indirect_dma source(%dma_start3A_93 : memref<8x16xf32, #tpu.memory_space<vmem>>) target(%dma_start3A_98 : memref<10240x16xf32, #tpu.memory_space<vmem_shared>>) offsets(%dma_start3A_95 : memref<8xi32, #tpu.memory_space<vmem>>) semaphore(%arg11 : memref<!tpu.dma_semaphore, #tpu.memory_space<semaphore_mem>>) {add = true}
    %dma_wait3A_99 = arith.constant 0 : i32
    %dma_wait3A_100 = arith.constant 0 : i32
    %dma_wait3A_101 = tpu.memref_slice %arg9[%dma_wait3A_99, %dma_wait3A_100] : memref<10240x16xf32, #tpu.memory_space<vmem_shared>> -> memref<5000x16xf32, #tpu.memory_space<vmem_shared>>
    %dma_wait3A_102 = arith.constant 0 : i32
    %dma_wait3A_103 = arith.constant 0 : i32
    %dma_wait3A_104 = tpu.memref_slice %arg9[%dma_wait3A_102, %dma_wait3A_103] : memref<10240x16xf32, #tpu.memory_space<vmem_shared>> -> memref<5000x16xf32, #tpu.memory_space<vmem_shared>>
    tpu.wait_dma2 semaphore(%arg11 : memref<!tpu.dma_semaphore, #tpu.memory_space<semaphore_mem>>) src(%arg7 : memref<5000x16xf32, #tpu.memory_space<vmem>>) dst(%dma_wait3A_104 : memref<5000x16xf32, #tpu.memory_space<vmem_shared>>)
    %barrier3A_105 = arith.constant 0 : index
    tpu.barrier barrier_id(%barrier3A_105)
    %mul3A_106 = arith.constant 640 : i32
    %mul3A_107 = arith.muli %arg1, %mul3A_106 : i32
    "tpu.region"() ({
      %run_scoped3A = tpu.sem_alloc : memref<!tpu.dma_semaphore, #tpu.memory_space<semaphore_mem>>
      %dma_start3A_108 = arith.constant 0 : i32
      %dma_start3A_109 = tpu.memref_slice %arg4[%arg0, %mul3A_107, %dma_start3A_108] : memref<2x10240x16xf32, #tpu.memory_space<hbm>> -> memref<1x640x16xf32, #tpu.memory_space<hbm>>
      %dma_start3A_110 = tpu.memref_squeeze %dma_start3A_109 : memref<1x640x16xf32, #tpu.memory_space<hbm>> -> memref<640x16xf32, #tpu.memory_space<hbm>>
      %dma_start3A_111 = arith.constant 0 : i32
      %dma_start3A_112 = tpu.memref_slice %arg9[%mul3A_107, %dma_start3A_111] : memref<10240x16xf32, #tpu.memory_space<vmem_shared>> -> memref<640x16xf32, #tpu.memory_space<vmem_shared>>
      tpu.enqueue_dma source(%dma_start3A_112 : memref<640x16xf32, #tpu.memory_space<vmem_shared>>) target(%dma_start3A_110 : memref<640x16xf32, #tpu.memory_space<hbm>>) target_semaphore(%run_scoped3A : memref<!tpu.dma_semaphore, #tpu.memory_space<semaphore_mem>>)
      %dma_wait3A_113 = arith.constant 0 : i32
      %dma_wait3A_114 = tpu.memref_slice %arg4[%arg0, %mul3A_107, %dma_wait3A_113] : memref<2x10240x16xf32, #tpu.memory_space<hbm>> -> memref<1x640x16xf32, #tpu.memory_space<hbm>>
      %dma_wait3A_115 = tpu.memref_squeeze %dma_wait3A_114 : memref<1x640x16xf32, #tpu.memory_space<hbm>> -> memref<640x16xf32, #tpu.memory_space<hbm>>
      %dma_wait3A_116 = arith.constant 0 : i32
      %dma_wait3A_117 = tpu.memref_slice %arg9[%mul3A_107, %dma_wait3A_116] : memref<10240x16xf32, #tpu.memory_space<vmem_shared>> -> memref<640x16xf32, #tpu.memory_space<vmem_shared>>
      tpu.wait_dma2 semaphore(%run_scoped3A : memref<!tpu.dma_semaphore, #tpu.memory_space<semaphore_mem>>) src(%dma_wait3A_117 : memref<640x16xf32, #tpu.memory_space<vmem_shared>>) dst(%dma_wait3A_115 : memref<640x16xf32, #tpu.memory_space<hbm>>)
      tpu.yield
    }) : () -> ()
    return
  }
}

#map = affine_map<(d0, d1) -> (0)>
#map1 = affine_map<(d0, d1) -> (0, 0)>
#map2 = affine_map<(d0, d1) -> (0, 0, 0)>
module attributes {stable_mosaic.version = 14 : i64} {
  func.func @_agg_kernel(%arg0: i32, %arg1: i32, %arg2: memref<320000xi32, #tpu.memory_space<hbm>>, %arg3: memref<10240x16xf32, #tpu.memory_space<hbm>>, %arg4: memref<2x10240x16xf32, #tpu.memory_space<hbm>>, %arg5: memref<5000xi32, #tpu.memory_space<vmem>>, %arg6: memref<5000xi32, #tpu.memory_space<vmem>>, %arg7: memref<5000x16xf32, #tpu.memory_space<vmem>>, %arg8: memref<128x16xf32, #tpu.memory_space<vmem>>, %arg9: memref<10240x16xf32, #tpu.memory_space<vmem_shared>>, %arg10: memref<!tpu.dma_semaphore, #tpu.memory_space<semaphore_mem>>, %arg11: memref<!tpu.dma_semaphore, #tpu.memory_space<semaphore_mem>>, %arg12: memref<!tpu.dma_semaphore, #tpu.memory_space<semaphore_mem>>) attributes {dimension_semantics = [#tpu.dimension_semantics<core_parallel>, #tpu.dimension_semantics<subcore_parallel>], iteration_bounds = array<i64: 2, 16>, scalar_prefetch = 0 : i64, scratch_operands = 8 : i64, tpu.core_type = #tpu.core_type<sc_vector_subcore>, window_params = [{transform_indices = #map}, {transform_indices = #map1}, {transform_indices = #map2}]} {
    %mul3A = arith.constant 16 : i32
    %mul3A_0 = arith.muli %arg0, %mul3A : i32
    %add3A = arith.addi %mul3A_0, %arg1 : i32
    %broadcast_in_dim3A = arith.constant 0.000000e+00 : f32
    %broadcast_in_dim3A_1 = vector.broadcast %broadcast_in_dim3A : f32 to vector<16xf32>
    %mul3A_2 = arith.constant 5000 : i32
    %mul3A_3 = arith.muli %add3A, %mul3A_2 : i32
    %dma_start3A = tpu.memref_slice %arg2[%mul3A_3] : memref<320000xi32, #tpu.memory_space<hbm>> -> memref<5000xi32, #tpu.memory_space<hbm>>
    %dma_start3A_4 = tpu.memref_slice %arg2[%mul3A_3] : memref<320000xi32, #tpu.memory_space<hbm>> -> memref<5000xi32, #tpu.memory_space<hbm>>
    tpu.enqueue_dma source(%dma_start3A_4 : memref<5000xi32, #tpu.memory_space<hbm>>) target(%arg5 : memref<5000xi32, #tpu.memory_space<vmem>>) target_semaphore(%arg12 : memref<!tpu.dma_semaphore, #tpu.memory_space<semaphore_mem>>)
    %mul3A_5 = arith.constant 5000 : i32
    %mul3A_6 = arith.muli %add3A, %mul3A_5 : i32
    %add3A_7 = arith.constant 160000 : i32
    %add3A_8 = arith.addi %add3A_7, %mul3A_6 : i32
    %dma_start3A_9 = tpu.memref_slice %arg2[%add3A_8] : memref<320000xi32, #tpu.memory_space<hbm>> -> memref<5000xi32, #tpu.memory_space<hbm>>
    %dma_start3A_10 = tpu.memref_slice %arg2[%add3A_8] : memref<320000xi32, #tpu.memory_space<hbm>> -> memref<5000xi32, #tpu.memory_space<hbm>>
    tpu.enqueue_dma source(%dma_start3A_10 : memref<5000xi32, #tpu.memory_space<hbm>>) target(%arg6 : memref<5000xi32, #tpu.memory_space<vmem>>) target_semaphore(%arg12 : memref<!tpu.dma_semaphore, #tpu.memory_space<semaphore_mem>>)
    %scan3A = arith.constant 0 : i32
    %scan3A_11 = arith.constant 0 : i32
    %scan3A_12 = arith.constant 128 : i32
    %scan3A_13 = arith.addi %scan3A_11, %scan3A_12 : i32
    %scan3A_14 = arith.constant 1 : i32
    %scan3A_15 = scf.for %scan3A_108 = %scan3A_11 to %scan3A_13 step %scan3A_14 iter_args(%scan3A_109 = %scan3A) -> (i32)  : i32 {
      %swap3A = arith.index_cast %scan3A_108 : i32 to index
      %swap3A_110 = arith.constant 0 : index
      %swap3A_111 = tpu.vector_load %arg8[%swap3A, %swap3A_110] {strides = array<i32>} : memref<128x16xf32, #tpu.memory_space<vmem>>, vector<16xf32>,
      tpu.vector_store %arg8[%swap3A, %swap3A_110], %broadcast_in_dim3A_1 {strides = array<i32>} : memref<128x16xf32, #tpu.memory_space<vmem>>, vector<16xf32>,
      %scan3A_112 = arith.constant 0 : i32
      scf.yield %scan3A_112 : i32
    }
    %scan3A_16 = arith.constant 128 : i32
    %scan3A_17 = arith.constant 0 : i32
    %scan3A_18 = arith.constant 0 : i32
    %scan3A_19 = arith.constant 5 : i32
    %scan3A_20 = arith.addi %scan3A_18, %scan3A_19 : i32
    %scan3A_21 = arith.constant 1 : i32
    %scan3A_22 = scf.for %scan3A_108 = %scan3A_18 to %scan3A_20 step %scan3A_21 iter_args(%scan3A_109 = %scan3A_17) -> (i32)  : i32 {
      %mul3A_110 = arith.constant 640 : i32
      %mul3A_111 = arith.muli %arg1, %mul3A_110 : i32
      %mul3A_112 = arith.constant 128 : i32
      %mul3A_113 = arith.muli %scan3A_108, %mul3A_112 : i32
      %add3A_114 = arith.addi %mul3A_111, %mul3A_113 : i32
      "tpu.region"() ({
        %run_scoped3A = tpu.sem_alloc : memref<!tpu.dma_semaphore, #tpu.memory_space<semaphore_mem>>
        %dma_start3A_116 = arith.constant 0 : i32
        %dma_start3A_117 = tpu.memref_slice %arg9[%add3A_114, %dma_start3A_116] : memref<10240x16xf32, #tpu.memory_space<vmem_shared>> -> memref<128x16xf32, #tpu.memory_space<vmem_shared>>
        %dma_start3A_118 = arith.constant 0 : i32
        %dma_start3A_119 = tpu.memref_slice %arg9[%add3A_114, %dma_start3A_118] : memref<10240x16xf32, #tpu.memory_space<vmem_shared>> -> memref<128x16xf32, #tpu.memory_space<vmem_shared>>
        tpu.enqueue_dma source(%arg8 : memref<128x16xf32, #tpu.memory_space<vmem>>) target(%dma_start3A_119 : memref<128x16xf32, #tpu.memory_space<vmem_shared>>) target_semaphore(%run_scoped3A : memref<!tpu.dma_semaphore, #tpu.memory_space<semaphore_mem>>)
        %dma_wait3A_120 = arith.constant 0 : i32
        %dma_wait3A_121 = tpu.memref_slice %arg9[%add3A_114, %dma_wait3A_120] : memref<10240x16xf32, #tpu.memory_space<vmem_shared>> -> memref<128x16xf32, #tpu.memory_space<vmem_shared>>
        %dma_wait3A_122 = arith.constant 0 : i32
        %dma_wait3A_123 = tpu.memref_slice %arg9[%add3A_114, %dma_wait3A_122] : memref<10240x16xf32, #tpu.memory_space<vmem_shared>> -> memref<128x16xf32, #tpu.memory_space<vmem_shared>>
        tpu.wait_dma2 semaphore(%run_scoped3A : memref<!tpu.dma_semaphore, #tpu.memory_space<semaphore_mem>>) src(%arg8 : memref<128x16xf32, #tpu.memory_space<vmem>>) dst(%dma_wait3A_123 : memref<128x16xf32, #tpu.memory_space<vmem_shared>>)
        tpu.yield
      }) : () -> ()
      %scan3A_115 = arith.constant 0 : i32
      scf.yield %scan3A_115 : i32
    }
    %scan3A_23 = arith.constant 5 : i32
    %mul3A_24 = arith.constant 5000 : i32
    %mul3A_25 = arith.muli %add3A, %mul3A_24 : i32
    %dma_wait3A = tpu.memref_slice %arg2[%mul3A_25] : memref<320000xi32, #tpu.memory_space<hbm>> -> memref<5000xi32, #tpu.memory_space<hbm>>
    %dma_wait3A_26 = tpu.memref_slice %arg2[%mul3A_25] : memref<320000xi32, #tpu.memory_space<hbm>> -> memref<5000xi32, #tpu.memory_space<hbm>>
    tpu.wait_dma2 semaphore(%arg12 : memref<!tpu.dma_semaphore, #tpu.memory_space<semaphore_mem>>) src(%dma_wait3A_26 : memref<5000xi32, #tpu.memory_space<hbm>>) dst(%arg5 : memref<5000xi32, #tpu.memory_space<vmem>>)
    %mul3A_27 = arith.constant 5000 : i32
    %mul3A_28 = arith.muli %add3A, %mul3A_27 : i32
    %dma_wait3A_29 = tpu.memref_slice %arg2[%mul3A_28] : memref<320000xi32, #tpu.memory_space<hbm>> -> memref<5000xi32, #tpu.memory_space<hbm>>
    %dma_wait3A_30 = tpu.memref_slice %arg2[%mul3A_28] : memref<320000xi32, #tpu.memory_space<hbm>> -> memref<5000xi32, #tpu.memory_space<hbm>>
    tpu.wait_dma2 semaphore(%arg12 : memref<!tpu.dma_semaphore, #tpu.memory_space<semaphore_mem>>) src(%dma_wait3A_30 : memref<5000xi32, #tpu.memory_space<hbm>>) dst(%arg6 : memref<5000xi32, #tpu.memory_space<vmem>>)
    %barrier3A = arith.constant 0 : index
    tpu.barrier barrier_id(%barrier3A)
    %scan3A_31 = arith.constant 0 : i32
    %scan3A_32 = arith.constant 0 : i32
    %scan3A_33 = arith.constant 19 : i32
    %scan3A_34 = arith.addi %scan3A_32, %scan3A_33 : i32
    %scan3A_35 = arith.constant 1 : i32
    %scan3A_36 = scf.for %scan3A_108 = %scan3A_32 to %scan3A_34 step %scan3A_35 iter_args(%scan3A_109 = %scan3A_31) -> (i32)  : i32 {
      %mul3A_110 = arith.constant 128 : i32
      %mul3A_111 = arith.muli %scan3A_108, %mul3A_110 : i32
      %mul3A_112 = arith.constant 128 : i32
      %mul3A_113 = arith.muli %scan3A_108, %mul3A_112 : i32
      %dma_start3A_114 = arith.constant 0 : i32
      %dma_start3A_115 = tpu.memref_slice %arg7[%mul3A_113, %dma_start3A_114] : memref<5000x16xf32, #tpu.memory_space<vmem>> -> memref<128x16xf32, #tpu.memory_space<vmem>>
      %dma_start3A_116 = tpu.memref_slice %arg5[%mul3A_111] : memref<5000xi32, #tpu.memory_space<vmem>> -> memref<128xi32, #tpu.memory_space<vmem>>
      %dma_start3A_117 = arith.constant 0 : i32
      %dma_start3A_118 = arith.constant 0 : i32
      %dma_start3A_119 = tpu.memref_slice %arg3[%dma_start3A_117, %dma_start3A_118] : memref<10240x16xf32, #tpu.memory_space<hbm>> -> memref<10240x16xf32, #tpu.memory_space<hbm>>
      tpu.enqueue_indirect_dma source(%dma_start3A_119 : memref<10240x16xf32, #tpu.memory_space<hbm>>) target(%dma_start3A_115 : memref<128x16xf32, #tpu.memory_space<vmem>>) offsets(%dma_start3A_116 : memref<128xi32, #tpu.memory_space<vmem>>) semaphore(%arg10 : memref<!tpu.dma_semaphore, #tpu.memory_space<semaphore_mem>>)
      %scan3A_120 = arith.constant 0 : i32
      scf.yield %scan3A_120 : i32
    }
    %scan3A_37 = arith.constant 19 : i32
    %dma_wait3A_38 = arith.constant 0 : i32
    %dma_wait3A_39 = arith.constant 0 : i32
    %dma_wait3A_40 = tpu.memref_slice %arg7[%dma_wait3A_38, %dma_wait3A_39] : memref<5000x16xf32, #tpu.memory_space<vmem>> -> memref<2432x16xf32, #tpu.memory_space<vmem>>
    %dma_wait3A_41 = arith.constant 0 : i32
    %dma_wait3A_42 = arith.constant 0 : i32
    %dma_wait3A_43 = tpu.memref_slice %arg3[%dma_wait3A_41, %dma_wait3A_42] : memref<10240x16xf32, #tpu.memory_space<hbm>> -> memref<2432x16xf32, #tpu.memory_space<hbm>>
    %dma_wait3A_44 = arith.constant 0 : i32
    %dma_wait3A_45 = arith.constant 0 : i32
    %dma_wait3A_46 = tpu.memref_slice %arg7[%dma_wait3A_44, %dma_wait3A_45] : memref<5000x16xf32, #tpu.memory_space<vmem>> -> memref<2432x16xf32, #tpu.memory_space<vmem>>
    %dma_wait3A_47 = arith.constant 0 : i32
    %dma_wait3A_48 = arith.constant 0 : i32
    %dma_wait3A_49 = tpu.memref_slice %arg3[%dma_wait3A_47, %dma_wait3A_48] : memref<10240x16xf32, #tpu.memory_space<hbm>> -> memref<2432x16xf32, #tpu.memory_space<hbm>>
    tpu.wait_dma2 semaphore(%arg10 : memref<!tpu.dma_semaphore, #tpu.memory_space<semaphore_mem>>) src(%dma_wait3A_49 : memref<2432x16xf32, #tpu.memory_space<hbm>>) dst(%dma_wait3A_46 : memref<2432x16xf32, #tpu.memory_space<vmem>>)
    %scan3A_50 = arith.constant 0 : i32
    %scan3A_51 = arith.constant 0 : i32
    %scan3A_52 = arith.constant 19 : i32
    %scan3A_53 = arith.addi %scan3A_51, %scan3A_52 : i32
    %scan3A_54 = arith.constant 1 : i32
    %scan3A_55 = scf.for %scan3A_108 = %scan3A_51 to %scan3A_53 step %scan3A_54 iter_args(%scan3A_109 = %scan3A_50) -> (i32)  : i32 {
      %mul3A_110 = arith.constant 128 : i32
      %mul3A_111 = arith.muli %scan3A_108, %mul3A_110 : i32
      %mul3A_112 = arith.constant 128 : i32
      %mul3A_113 = arith.muli %scan3A_108, %mul3A_112 : i32
      %dma_start3A_114 = arith.constant 0 : i32
      %dma_start3A_115 = tpu.memref_slice %arg7[%mul3A_111, %dma_start3A_114] : memref<5000x16xf32, #tpu.memory_space<vmem>> -> memref<128x16xf32, #tpu.memory_space<vmem>>
      %dma_start3A_116 = tpu.memref_slice %arg6[%mul3A_113] : memref<5000xi32, #tpu.memory_space<vmem>> -> memref<128xi32, #tpu.memory_space<vmem>>
      %dma_start3A_117 = arith.constant 0 : i32
      %dma_start3A_118 = arith.constant 0 : i32
      %dma_start3A_119 = tpu.memref_slice %arg9[%dma_start3A_117, %dma_start3A_118] : memref<10240x16xf32, #tpu.memory_space<vmem_shared>> -> memref<10240x16xf32, #tpu.memory_space<vmem_shared>>
      tpu.enqueue_indirect_dma source(%dma_start3A_115 : memref<128x16xf32, #tpu.memory_space<vmem>>) target(%dma_start3A_119 : memref<10240x16xf32, #tpu.memory_space<vmem_shared>>) offsets(%dma_start3A_116 : memref<128xi32, #tpu.memory_space<vmem>>) semaphore(%arg11 : memref<!tpu.dma_semaphore, #tpu.memory_space<semaphore_mem>>) {add = true}
      %scan3A_120 = arith.constant 0 : i32
      scf.yield %scan3A_120 : i32
    }
    %scan3A_56 = arith.constant 19 : i32
    %scan3A_57 = arith.constant 0 : i32
    %scan3A_58 = arith.constant 19 : i32
    %scan3A_59 = arith.constant 20 : i32
    %scan3A_60 = arith.addi %scan3A_58, %scan3A_59 : i32
    %scan3A_61 = arith.constant 1 : i32
    %scan3A_62 = scf.for %scan3A_108 = %scan3A_58 to %scan3A_60 step %scan3A_61 iter_args(%scan3A_109 = %scan3A_57) -> (i32)  : i32 {
      %mul3A_110 = arith.constant 128 : i32
      %mul3A_111 = arith.muli %scan3A_108, %mul3A_110 : i32
      %mul3A_112 = arith.constant 128 : i32
      %mul3A_113 = arith.muli %scan3A_108, %mul3A_112 : i32
      %dma_start3A_114 = arith.constant 0 : i32
      %dma_start3A_115 = tpu.memref_slice %arg7[%mul3A_113, %dma_start3A_114] : memref<5000x16xf32, #tpu.memory_space<vmem>> -> memref<128x16xf32, #tpu.memory_space<vmem>>
      %dma_start3A_116 = tpu.memref_slice %arg5[%mul3A_111] : memref<5000xi32, #tpu.memory_space<vmem>> -> memref<128xi32, #tpu.memory_space<vmem>>
      %dma_start3A_117 = arith.constant 0 : i32
      %dma_start3A_118 = arith.constant 0 : i32
      %dma_start3A_119 = tpu.memref_slice %arg3[%dma_start3A_117, %dma_start3A_118] : memref<10240x16xf32, #tpu.memory_space<hbm>> -> memref<10240x16xf32, #tpu.memory_space<hbm>>
      tpu.enqueue_indirect_dma source(%dma_start3A_119 : memref<10240x16xf32, #tpu.memory_space<hbm>>) target(%dma_start3A_115 : memref<128x16xf32, #tpu.memory_space<vmem>>) offsets(%dma_start3A_116 : memref<128xi32, #tpu.memory_space<vmem>>) semaphore(%arg10 : memref<!tpu.dma_semaphore, #tpu.memory_space<semaphore_mem>>)
      %scan3A_120 = arith.constant 0 : i32
      scf.yield %scan3A_120 : i32
    }
    %scan3A_63 = arith.constant 20 : i32
    %dma_start3A_64 = arith.constant 4992 : i32
    %dma_start3A_65 = arith.constant 0 : i32
    %dma_start3A_66 = tpu.memref_slice %arg7[%dma_start3A_64, %dma_start3A_65] : memref<5000x16xf32, #tpu.memory_space<vmem>> -> memref<8x16xf32, #tpu.memory_space<vmem>>
    %dma_start3A_67 = arith.constant 4992 : i32
    %dma_start3A_68 = tpu.memref_slice %arg5[%dma_start3A_67] : memref<5000xi32, #tpu.memory_space<vmem>> -> memref<8xi32, #tpu.memory_space<vmem>>
    %dma_start3A_69 = arith.constant 0 : i32
    %dma_start3A_70 = arith.constant 0 : i32
    %dma_start3A_71 = tpu.memref_slice %arg3[%dma_start3A_69, %dma_start3A_70] : memref<10240x16xf32, #tpu.memory_space<hbm>> -> memref<10240x16xf32, #tpu.memory_space<hbm>>
    tpu.enqueue_indirect_dma source(%dma_start3A_71 : memref<10240x16xf32, #tpu.memory_space<hbm>>) target(%dma_start3A_66 : memref<8x16xf32, #tpu.memory_space<vmem>>) offsets(%dma_start3A_68 : memref<8xi32, #tpu.memory_space<vmem>>) semaphore(%arg10 : memref<!tpu.dma_semaphore, #tpu.memory_space<semaphore_mem>>)
    %dma_wait3A_72 = arith.constant 2432 : i32
    %dma_wait3A_73 = arith.constant 0 : i32
    %dma_wait3A_74 = tpu.memref_slice %arg7[%dma_wait3A_72, %dma_wait3A_73] : memref<5000x16xf32, #tpu.memory_space<vmem>> -> memref<2568x16xf32, #tpu.memory_space<vmem>>
    %dma_wait3A_75 = arith.constant 0 : i32
    %dma_wait3A_76 = arith.constant 0 : i32
    %dma_wait3A_77 = tpu.memref_slice %arg3[%dma_wait3A_75, %dma_wait3A_76] : memref<10240x16xf32, #tpu.memory_space<hbm>> -> memref<2568x16xf32, #tpu.memory_space<hbm>>
    %dma_wait3A_78 = arith.constant 2432 : i32
    %dma_wait3A_79 = arith.constant 0 : i32
    %dma_wait3A_80 = tpu.memref_slice %arg7[%dma_wait3A_78, %dma_wait3A_79] : memref<5000x16xf32, #tpu.memory_space<vmem>> -> memref<2568x16xf32, #tpu.memory_space<vmem>>
    %dma_wait3A_81 = arith.constant 0 : i32
    %dma_wait3A_82 = arith.constant 0 : i32
    %dma_wait3A_83 = tpu.memref_slice %arg3[%dma_wait3A_81, %dma_wait3A_82] : memref<10240x16xf32, #tpu.memory_space<hbm>> -> memref<2568x16xf32, #tpu.memory_space<hbm>>
    tpu.wait_dma2 semaphore(%arg10 : memref<!tpu.dma_semaphore, #tpu.memory_space<semaphore_mem>>) src(%dma_wait3A_83 : memref<2568x16xf32, #tpu.memory_space<hbm>>) dst(%dma_wait3A_80 : memref<2568x16xf32, #tpu.memory_space<vmem>>)
    %scan3A_84 = arith.constant 0 : i32
    %scan3A_85 = arith.constant 19 : i32
    %scan3A_86 = arith.constant 20 : i32
    %scan3A_87 = arith.addi %scan3A_85, %scan3A_86 : i32
    %scan3A_88 = arith.constant 1 : i32
    %scan3A_89 = scf.for %scan3A_108 = %scan3A_85 to %scan3A_87 step %scan3A_88 iter_args(%scan3A_109 = %scan3A_84) -> (i32)  : i32 {
      %mul3A_110 = arith.constant 128 : i32
      %mul3A_111 = arith.muli %scan3A_108, %mul3A_110 : i32
      %mul3A_112 = arith.constant 128 : i32
      %mul3A_113 = arith.muli %scan3A_108, %mul3A_112 : i32
      %dma_start3A_114 = arith.constant 0 : i32
      %dma_start3A_115 = tpu.memref_slice %arg7[%mul3A_111, %dma_start3A_114] : memref<5000x16xf32, #tpu.memory_space<vmem>> -> memref<128x16xf32, #tpu.memory_space<vmem>>
      %dma_start3A_116 = tpu.memref_slice %arg6[%mul3A_113] : memref<5000xi32, #tpu.memory_space<vmem>> -> memref<128xi32, #tpu.memory_space<vmem>>
      %dma_start3A_117 = arith.constant 0 : i32
      %dma_start3A_118 = arith.constant 0 : i32
      %dma_start3A_119 = tpu.memref_slice %arg9[%dma_start3A_117, %dma_start3A_118] : memref<10240x16xf32, #tpu.memory_space<vmem_shared>> -> memref<10240x16xf32, #tpu.memory_space<vmem_shared>>
      tpu.enqueue_indirect_dma source(%dma_start3A_115 : memref<128x16xf32, #tpu.memory_space<vmem>>) target(%dma_start3A_119 : memref<10240x16xf32, #tpu.memory_space<vmem_shared>>) offsets(%dma_start3A_116 : memref<128xi32, #tpu.memory_space<vmem>>) semaphore(%arg11 : memref<!tpu.dma_semaphore, #tpu.memory_space<semaphore_mem>>) {add = true}
      %scan3A_120 = arith.constant 0 : i32
      scf.yield %scan3A_120 : i32
    }
    %scan3A_90 = arith.constant 20 : i32
    %dma_start3A_91 = arith.constant 4992 : i32
    %dma_start3A_92 = arith.constant 0 : i32
    %dma_start3A_93 = tpu.memref_slice %arg7[%dma_start3A_91, %dma_start3A_92] : memref<5000x16xf32, #tpu.memory_space<vmem>> -> memref<8x16xf32, #tpu.memory_space<vmem>>
    %dma_start3A_94 = arith.constant 4992 : i32
    %dma_start3A_95 = tpu.memref_slice %arg6[%dma_start3A_94] : memref<5000xi32, #tpu.memory_space<vmem>> -> memref<8xi32, #tpu.memory_space<vmem>>
    %dma_start3A_96 = arith.constant 0 : i32
    %dma_start3A_97 = arith.constant 0 : i32
    %dma_start3A_98 = tpu.memref_slice %arg9[%dma_start3A_96, %dma_start3A_97] : memref<10240x16xf32, #tpu.memory_space<vmem_shared>> -> memref<10240x16xf32, #tpu.memory_space<vmem_shared>>
    tpu.enqueue_indirect_dma source(%dma_start3A_93 : memref<8x16xf32, #tpu.memory_space<vmem>>) target(%dma_start3A_98 : memref<10240x16xf32, #tpu.memory_space<vmem_shared>>) offsets(%dma_start3A_95 : memref<8xi32, #tpu.memory_space<vmem>>) semaphore(%arg11 : memref<!tpu.dma_semaphore, #tpu.memory_space<semaphore_mem>>) {add = true}
    %dma_wait3A_99 = arith.constant 0 : i32
    %dma_wait3A_100 = arith.constant 0 : i32
    %dma_wait3A_101 = tpu.memref_slice %arg9[%dma_wait3A_99, %dma_wait3A_100] : memref<10240x16xf32, #tpu.memory_space<vmem_shared>> -> memref<5000x16xf32, #tpu.memory_space<vmem_shared>>
    %dma_wait3A_102 = arith.constant 0 : i32
    %dma_wait3A_103 = arith.constant 0 : i32
    %dma_wait3A_104 = tpu.memref_slice %arg9[%dma_wait3A_102, %dma_wait3A_103] : memref<10240x16xf32, #tpu.memory_space<vmem_shared>> -> memref<5000x16xf32, #tpu.memory_space<vmem_shared>>
    tpu.wait_dma2 semaphore(%arg11 : memref<!tpu.dma_semaphore, #tpu.memory_space<semaphore_mem>>) src(%arg7 : memref<5000x16xf32, #tpu.memory_space<vmem>>) dst(%dma_wait3A_104 : memref<5000x16xf32, #tpu.memory_space<vmem_shared>>)
    %barrier3A_105 = arith.constant 0 : index
    tpu.barrier barrier_id(%barrier3A_105)
    %mul3A_106 = arith.constant 640 : i32
    %mul3A_107 = arith.muli %arg1, %mul3A_106 : i32
    "tpu.region"() ({
      %run_scoped3A = tpu.sem_alloc : memref<!tpu.dma_semaphore, #tpu.memory_space<semaphore_mem>>
      %dma_start3A_108 = arith.constant 0 : i32
      %dma_start3A_109 = tpu.memref_slice %arg4[%arg0, %mul3A_107, %dma_start3A_108] : memref<2x10240x16xf32, #tpu.memory_space<hbm>> -> memref<1x640x16xf32, #tpu.memory_space<hbm>>
      %dma_start3A_110 = tpu.memref_squeeze %dma_start3A_109 : memref<1x640x16xf32, #tpu.memory_space<hbm>> -> memref<640x16xf32, #tpu.memory_space<hbm>>
      %dma_start3A_111 = arith.constant 0 : i32
      %dma_start3A_112 = tpu.memref_slice %arg9[%mul3A_107, %dma_start3A_111] : memref<10240x16xf32, #tpu.memory_space<vmem_shared>> -> memref<640x16xf32, #tpu.memory_space<vmem_shared>>
      tpu.enqueue_dma source(%dma_start3A_112 : memref<640x16xf32, #tpu.memory_space<vmem_shared>>) target(%dma_start3A_110 : memref<640x16xf32, #tpu.memory_space<hbm>>) target_semaphore(%run_scoped3A : memref<!tpu.dma_semaphore, #tpu.memory_space<semaphore_mem>>)
      %dma_wait3A_113 = arith.constant 0 : i32
      %dma_wait3A_114 = tpu.memref_slice %arg4[%arg0, %mul3A_107, %dma_wait3A_113] : memref<2x10240x16xf32, #tpu.memory_space<hbm>> -> memref<1x640x16xf32, #tpu.memory_space<hbm>>
      %dma_wait3A_115 = tpu.memref_squeeze %dma_wait3A_114 : memref<1x640x16xf32, #tpu.memory_space<hbm>> -> memref<640x16xf32, #tpu.memory_space<hbm>>
      %dma_wait3A_116 = arith.constant 0 : i32
      %dma_wait3A_117 = tpu.memref_slice %arg9[%mul3A_107, %dma_wait3A_116] : memref<10240x16xf32, #tpu.memory_space<vmem_shared>> -> memref<640x16xf32, #tpu.memory_space<vmem_shared>>
      tpu.wait_dma2 semaphore(%run_scoped3A : memref<!tpu.dma_semaphore, #tpu.memory_space<semaphore_mem>>) src(%dma_wait3A_117 : memref<640x16xf32, #tpu.memory_space<vmem_shared>>) dst(%dma_wait3A_115 : memref<640x16xf32, #tpu.memory_space<hbm>>)
      tpu.yield
    }) : () -> ()
    return
  }
}

module attributes {stable_mosaic.version = 14 : i64} {
  func.func @_tc1a_body(%arg0: memref<10000x256xf32, #tpu.memory_space<vmem>>, %arg1: memref<256x16xf32, #tpu.memory_space<vmem>>, %arg2: memref<10240x16xf32, #tpu.memory_space<vmem>>) attributes {dimension_semantics = [], scalar_prefetch = 0 : i64, scratch_operands = 0 : i64, tpu.core_type = #tpu.core_type<tc>} {
    %get3A = arith.constant 0 : index
    %get3A_0 = arith.constant 0 : index
    %get3A_1 = vector.load %arg0[%get3A, %get3A_0] : memref<10000x256xf32, #tpu.memory_space<vmem>>, vector<10000x256xf32>
    %get3A_2 = arith.constant 0 : index
    %get3A_3 = arith.constant 0 : index
    %get3A_4 = vector.load %arg1[%get3A_2, %get3A_3] : memref<256x16xf32, #tpu.memory_space<vmem>>, vector<256x16xf32>
    %dot_general3A = arith.constant dense<0.000000e+00> : vector<10000x16xf32>
    %dot_general3A_5 = tpu.matmul %get3A_1, %get3A_4, %dot_general3A {dimension_numbers = #tpu.dot_dimension_numbers<[1], [0], [0], [1], [0, 0, 1, 1], [], []>, transpose_lhs_hint = false} : vector<10000x256xf32>, vector<256x16xf32>, vector<10000x16xf32> -> vector<10000x16xf32>
    %swap3A = arith.constant 0 : index
    %swap3A_6 = arith.constant 0 : index
    %swap3A_7 = vector.load %arg2[%swap3A, %swap3A_6] : memref<10240x16xf32, #tpu.memory_space<vmem>>, vector<10000x16xf32>
    tpu.vector_store %arg2[%swap3A, %swap3A_6], %dot_general3A_5 {strides = array<i32>} : memref<10240x16xf32, #tpu.memory_space<vmem>>, vector<10000x16xf32>,
    %broadcast_in_dim3A = arith.constant 0.000000e+00 : f32
    %broadcast_in_dim3A_8 = vector.broadcast %broadcast_in_dim3A : f32 to vector<240x16xf32>
    %swap3A_9 = arith.constant 10000 : index
    %swap3A_10 = arith.constant 0 : index
    %swap3A_11 = vector.load %arg2[%swap3A_9, %swap3A_10] : memref<10240x16xf32, #tpu.memory_space<vmem>>, vector<240x16xf32>
    tpu.vector_store %arg2[%swap3A_9, %swap3A_10], %broadcast_in_dim3A_8 {strides = array<i32>} : memref<10240x16xf32, #tpu.memory_space<vmem>>, vector<240x16xf32>,
    return
  }
}

module attributes {stable_mosaic.version = 14 : i64} {
  func.func @_tc1b_body(%arg0: memref<1280x128xf32, #tpu.memory_space<vmem>>, %arg1: memref<1280x128xf32, #tpu.memory_space<vmem>>, %arg2: memref<1280x128xf32, #tpu.memory_space<vmem>>) attributes {dimension_semantics = [], scalar_prefetch = 0 : i64, scratch_operands = 0 : i64, tpu.core_type = #tpu.core_type<tc>} {
    %get3A = arith.constant 0 : index
    %get3A_0 = arith.constant 0 : index
    %get3A_1 = vector.load %arg0[%get3A, %get3A_0] : memref<1280x128xf32, #tpu.memory_space<vmem>>, vector<1280x128xf32>
    %get3A_2 = arith.constant 0 : index
    %get3A_3 = arith.constant 0 : index
    %get3A_4 = vector.load %arg1[%get3A_2, %get3A_3] : memref<1280x128xf32, #tpu.memory_space<vmem>>, vector<1280x128xf32>
    %mul3A = arith.mulf %get3A_1, %get3A_4 : vector<1280x128xf32>
    %swap3A = arith.constant 0 : index
    %swap3A_5 = arith.constant 0 : index
    %swap3A_6 = vector.load %arg2[%swap3A, %swap3A_5] : memref<1280x128xf32, #tpu.memory_space<vmem>>, vector<1280x128xf32>
    tpu.vector_store %arg2[%swap3A, %swap3A_5], %mul3A {strides = array<i32>} : memref<1280x128xf32, #tpu.memory_space<vmem>>, vector<1280x128xf32>,
    return
  }
}

module attributes {stable_mosaic.version = 14 : i64} {
  func.func @_tc2_body(%arg0: memref<2x1280x128xf32, #tpu.memory_space<vmem>>, %arg1: memref<1280x128xf32, #tpu.memory_space<vmem>>, %arg2: memref<1280x128xf32, #tpu.memory_space<vmem>>, %arg3: memref<16xf32, #tpu.memory_space<vmem>>, %arg4: memref<1280x128xf32, #tpu.memory_space<vmem>>) attributes {dimension_semantics = [], scalar_prefetch = 0 : i64, scratch_operands = 0 : i64, tpu.core_type = #tpu.core_type<tc>} {
    %get3A = arith.constant 0 : index
    %get3A_0 = arith.constant 0 : index
    %get3A_1 = arith.constant 0 : index
    %get3A_2 = vector.load %arg0[%get3A, %get3A_0, %get3A_1] : memref<2x1280x128xf32, #tpu.memory_space<vmem>>, vector<1x1280x128xf32>
    %get3A_3 = vector.shape_cast %get3A_2 : vector<1x1280x128xf32> to vector<1280x128xf32>
    %get3A_4 = arith.constant 1 : index
    %get3A_5 = arith.constant 0 : index
    %get3A_6 = arith.constant 0 : index
    %get3A_7 = vector.load %arg0[%get3A_4, %get3A_5, %get3A_6] : memref<2x1280x128xf32, #tpu.memory_space<vmem>>, vector<1x1280x128xf32>
    %get3A_8 = vector.shape_cast %get3A_7 : vector<1x1280x128xf32> to vector<1280x128xf32>
    %add3A = arith.addf %get3A_3, %get3A_8 : vector<1280x128xf32>
    %get3A_9 = arith.constant 0 : index
    %get3A_10 = arith.constant 0 : index
    %get3A_11 = vector.load %arg2[%get3A_9, %get3A_10] : memref<1280x128xf32, #tpu.memory_space<vmem>>, vector<1280x128xf32>
    %get3A_12 = arith.constant 0 : index
    %get3A_13 = vector.load %arg3[%get3A_12] : memref<16xf32, #tpu.memory_space<vmem>>, vector<16xf32>
    %concatenate3A = tpu.concatenate %get3A_13, %get3A_13, %get3A_13, %get3A_13, %get3A_13, %get3A_13, %get3A_13, %get3A_13 in 0 : vector<16xf32>, vector<16xf32>, vector<16xf32>, vector<16xf32>, vector<16xf32>, vector<16xf32>, vector<16xf32>, vector<16xf32> -> vector<128xf32>
    %get3A_14 = arith.constant 0 : index
    %get3A_15 = arith.constant 0 : index
    %get3A_16 = vector.load %arg1[%get3A_14, %get3A_15] : memref<1280x128xf32, #tpu.memory_space<vmem>>, vector<1280x128xf32>
    %add3A_17 = arith.addf %add3A, %get3A_16 : vector<1280x128xf32>
    %mul3A = arith.mulf %get3A_11, %add3A_17 : vector<1280x128xf32>
    %broadcast_in_dim3A = vector.shape_cast %concatenate3A : vector<128xf32> to vector<1x128xf32>
    %add3A_18 = vector.broadcast %broadcast_in_dim3A : vector<1x128xf32> to vector<1280x128xf32>
    %add3A_19 = arith.addf %mul3A, %add3A_18 : vector<1280x128xf32>
    %max3A = arith.constant 0.000000e+00 : f32
    %max3A_20 = vector.broadcast %max3A : f32 to vector<1280x128xf32>
    %max3A_21 = arith.maximumf %add3A_19, %max3A_20 : vector<1280x128xf32>
    %mul3A_22 = arith.mulf %max3A_21, %get3A_11 : vector<1280x128xf32>
    %swap3A = arith.constant 0 : index
    %swap3A_23 = arith.constant 0 : index
    %swap3A_24 = vector.load %arg4[%swap3A, %swap3A_23] : memref<1280x128xf32, #tpu.memory_space<vmem>>, vector<1280x128xf32>
    tpu.vector_store %arg4[%swap3A, %swap3A_23], %mul3A_22 {strides = array<i32>} : memref<1280x128xf32, #tpu.memory_space<vmem>>, vector<1280x128xf32>,
    return
  }
}

module attributes {stable_mosaic.version = 14 : i64} {
  func.func @_tc3_body(%arg0: memref<2x1280x128xf32, #tpu.memory_space<vmem>>, %arg1: memref<1280x128xf32, #tpu.memory_space<vmem>>, %arg2: memref<1280x128xf32, #tpu.memory_space<vmem>>, %arg3: memref<128x16xf32, #tpu.memory_space<vmem>>, %arg4: memref<2xf32, #tpu.memory_space<vmem>>, %arg5: memref<1280x16xf32, #tpu.memory_space<vmem>>) attributes {dimension_semantics = [], scalar_prefetch = 0 : i64, scratch_operands = 0 : i64, tpu.core_type = #tpu.core_type<tc>} {
    %get3A = arith.constant 0 : index
    %get3A_0 = arith.constant 0 : index
    %get3A_1 = vector.load %arg2[%get3A, %get3A_0] : memref<1280x128xf32, #tpu.memory_space<vmem>>, vector<1280x128xf32>
    %get3A_2 = arith.constant 0 : index
    %get3A_3 = arith.constant 0 : index
    %get3A_4 = arith.constant 0 : index
    %get3A_5 = vector.load %arg0[%get3A_2, %get3A_3, %get3A_4] : memref<2x1280x128xf32, #tpu.memory_space<vmem>>, vector<1x1280x128xf32>
    %get3A_6 = vector.shape_cast %get3A_5 : vector<1x1280x128xf32> to vector<1280x128xf32>
    %get3A_7 = arith.constant 1 : index
    %get3A_8 = arith.constant 0 : index
    %get3A_9 = arith.constant 0 : index
    %get3A_10 = vector.load %arg0[%get3A_7, %get3A_8, %get3A_9] : memref<2x1280x128xf32, #tpu.memory_space<vmem>>, vector<1x1280x128xf32>
    %get3A_11 = vector.shape_cast %get3A_10 : vector<1x1280x128xf32> to vector<1280x128xf32>
    %add3A = arith.addf %get3A_6, %get3A_11 : vector<1280x128xf32>
    %get3A_12 = arith.constant 0 : index
    %get3A_13 = arith.constant 0 : index
    %get3A_14 = vector.load %arg1[%get3A_12, %get3A_13] : memref<1280x128xf32, #tpu.memory_space<vmem>>, vector<1280x128xf32>
    %add3A_15 = arith.addf %add3A, %get3A_14 : vector<1280x128xf32>
    %mul3A = arith.mulf %get3A_1, %add3A_15 : vector<1280x128xf32>
    %get3A_16 = arith.constant 0 : index
    %get3A_17 = vector.load %arg4[%get3A_16] : memref<2xf32, #tpu.memory_space<vmem>>, vector<2xf32>
    %concatenate3A = tpu.concatenate %get3A_17, %get3A_17, %get3A_17, %get3A_17, %get3A_17, %get3A_17, %get3A_17, %get3A_17 in 0 : vector<2xf32>, vector<2xf32>, vector<2xf32>, vector<2xf32>, vector<2xf32>, vector<2xf32>, vector<2xf32>, vector<2xf32> -> vector<16xf32>
    %get3A_18 = arith.constant 0 : index
    %get3A_19 = arith.constant 0 : index
    %get3A_20 = vector.load %arg3[%get3A_18, %get3A_19] : memref<128x16xf32, #tpu.memory_space<vmem>>, vector<128x16xf32>
    %dot_general3A = arith.constant dense<0.000000e+00> : vector<1280x16xf32>
    %dot_general3A_21 = tpu.matmul %mul3A, %get3A_20, %dot_general3A {dimension_numbers = #tpu.dot_dimension_numbers<[1], [0], [0], [1], [0, 0, 1, 1], [], []>, transpose_lhs_hint = false} : vector<1280x128xf32>, vector<128x16xf32>, vector<1280x16xf32> -> vector<1280x16xf32>
    %broadcast_in_dim3A = vector.shape_cast %concatenate3A : vector<16xf32> to vector<1x16xf32>
    %add3A_22 = vector.broadcast %broadcast_in_dim3A : vector<1x16xf32> to vector<1280x16xf32>
    %add3A_23 = arith.addf %dot_general3A_21, %add3A_22 : vector<1280x16xf32>
    %swap3A = arith.constant 0 : index
    %swap3A_24 = arith.constant 0 : index
    %swap3A_25 = vector.load %arg5[%swap3A, %swap3A_24] : memref<1280x16xf32, #tpu.memory_space<vmem>>, vector<1280x16xf32>
    tpu.vector_store %arg5[%swap3A, %swap3A_24], %add3A_23 {strides = array<i32>} : memref<1280x16xf32, #tpu.memory_space<vmem>>, vector<1280x16xf32>,
    return
  }
}

</mosaic_0001>

<sc_bundles>
// kernel: kernel.12.cloned.1.call-start
scs
__scs_entry_jumppad:
0x0: {  	(pc) =	sbr.rel $0x88, $3  }
0x1: {  	(tag) =	ssettag $0x0;
	lr =	simm.s32 $0x1  }
0x2: {  	[smem:$0x3F9B] =	sst lr;
	_ =	strace $0xD0000000  }
0x3: {  	_ = 	snop  }
0x4: {  	_ = 	snop  }
0x5: {  	_ = 	snop  }
0x6: {  	_ = 	snop  }
0x7: {  	_ = 	snop  }
__scs_overlays_trampoline_lowered:
0x8: {  	[smem:$0x3FAA] =	sst s0  }
0x9: {  	[smem:$0x3FAB] =	sst s1  }
0xa: {  	[smem:$0x3FAC] =	sst s2  }
0xb: {  	[smem:$0x3FAD] =	sst s3  }
0xc: {  	[smem:$0x3FAE] =	sst s4  }
0xd: {  	[smem:$0x3FAF] =	sst s5  }
0xe: {  	[smem:$0x3FB0] =	sst s6  }
0xf: {  	[smem:$0x3FB1] =	sst s7  }
0x10: {  	[smem:$0x3FB2] =	sst s8  }
0x11: {  	[smem:$0x3FB3] =	sst s9;
	s0 =	simm.s32 @!p0 $0x0  }
0x12: {  	s1 =	sld [smem:$0x3F99];
	s0 =	simm.s32 @p0 $0x1  }
0x13: {  	[smem:$0x3FB4] =	sst s0;
	s0 =	simm.s32 @!p1 $0x0  }
0x14: {  	s2 =	sld [smem:$0x3F98];
	s0 =	simm.s32 @p1 $0x1  }
0x15: {  	[smem:$0x3FB5] =	sst s0;
	s0 =	simm.s32 @!p2 $0x0  }
0x16: {  	s3 =	sld [smem:$0x3FDB];
	s0 =	simm.s32 @p2 $0x1  }
0x17: {  	s4 =	simm.s32 $0x1BF5;
	[smem:$0x3FB7] =	sst s0  }
0x18: {  	s0 =	sld [smem:$0x3F9A];
	_ =	swait.ge [sflag:s4], $0x0  }
0x19: {  	s7 =	sld [smem:$0x3F9B]  }
0x1a: {  	s8 =	sadd.s32 $0xFFFFE003, lr  }
0x1b: {  	s9 =	sadd.s32 $0xFFFFFEF7, lr;
	s5 =	simm.s32 $0xFFFFFFFF;
	p2 =	slt.u32 s8, $0xFFFFF086  }
0x1c: {  	p1 =	slt.u32 s9, $0xF7A;
	s5 =	simm.s32 @!p2 $0x0  }
0x1d: {  	s5 =	simm.s32 @p1 $0x1;
	p0 =	seq.s32 s7, s2  }
0x1e: {  	s7 =	smul.u32 @!p0 $0xF7A, s2;
	p2 =	seq.s32 @!p0 s5, $0x0  }
0x1f: {  	s9 =	smul.u32 $0xF7A, s1;
	s8 =	simm.s32 @!p0 $0x1BF5;
	p2 =	por !p2, p0  }
0x20: {  	[sflag:s8] =	ssyncset.s32 @!p0 $0xFFFFF086;
	s6 =	sadd.s32 @!p0 s3, s7;
	s7 =	simm.s32 @!p0 $0x108  }
0x21: {  	s3 =	sadd.s32 s3, s9;
	s6 =	sadd.s32 @!p0 $0x88, s6;
	s7 =	simm.s32 @p2 $0x1082  }
0x22: {  	[simem:s7], [sflag:s8] =	dma.local @!p0 [hbm:s6], $0xF7A  }
0x23: {  	s9 =	sor.u32 $0xD0000000, s2;
	s6 =	simm.s32 $0x108;
	_ =	swait.ge @!p0 [sflag:s8], $0x0  }
0x24: {  	s3 =	sadd.s32 $0x88, s3;
	s6 =	simm.s32 @!p1 $0x1082;
	[sflag:s4] =	ssyncset.s32 $0xFFFFF086  }
0x25: {  	[simem:s6], [sflag:s4] =	dma.local [hbm:s3], $0xF7A  }
0x26: {  	[smem:$0x3F9B] =	sst s1;
	(tag) =	ssettag s2;
	_ =	strace s9  }
0x27: {  	s1 =	sld [smem:$0x3FAB]  }
0x28: {  	s2 =	sld [smem:$0x3FAC]  }
0x29: {  	s4 =	sld [smem:$0x3FAE]  }
0x2a: {  	p0 =	seq.s32 s5, $0x0;
	s5 =	sld [smem:$0x3FAF]  }
0x2b: {  	s6 =	sld [smem:$0x3FB0]  }
0x2c: {  	s7 =	sld [smem:$0x3FB1]  }
0x2d: {  	s3 =	simm.s32 $0x108;
	s8 =	sld [smem:$0x3FB2]  }
0x2e: {  	s3 =	simm.s32 @!p0 $0x1082;
	s9 =	sld [smem:$0x3FB3]  }
0x2f: {  	lr =	sadd.s32 s0, s3;
	s0 =	sld [smem:$0x3FAA]  }
0x30: {  	s3 =	sld [smem:$0x3FAD]  }
0x31: {  	[smem:$0x3FB6] =	sst s10  }
0x32: {  	s10 =	sld [smem:$0x3FB4];
	_ =	sdelay $0x3  }
0x33: {  	p0 =	seq.s32 s10, $0x1;
	s10 =	sld [smem:$0x3FB6];
	_ =	sdelay $0x3  }
0x34: {  	[smem:$0x3FB6] =	sst s10  }
0x35: {  	s10 =	sld [smem:$0x3FB5];
	_ =	sdelay $0x3  }
0x36: {  	p1 =	seq.s32 s10, $0x1;
	s10 =	sld [smem:$0x3FB6];
	_ =	sdelay $0x3  }
0x37: {  	[smem:$0x3FB6] =	sst s10  }
0x38: {  	s10 =	sld [smem:$0x3FB7]  }
0x39: {  	_ = 	snop;
	(pc) =	sbr.ind lr, $3  }
0x3a: {  	_ = 	snop  }
0x3b: {  	_ = 	snop  }
0x3c: {  	p2 =	seq.s32 s10, $0x1;
	s10 =	sld [smem:$0x3FB6]  }
0x3d: {  	_ =	shalt  }
0x3e: {  	_ =	shalt  }
0x3f: {  	_ =	shalt  }
0x40: {  	_ =	shalt  }
0x41: {  	_ =	shalt  }
0x42: {  	_ =	shalt  }
0x43: {  	_ =	shalt  }
0x44: {  	_ =	shalt  }
0x45: {  	_ =	shalt  }
0x46: {  	_ =	shalt  }
0x47: {  	_ =	shalt  }
0x48: {  	_ =	shalt  }
0x49: {  	_ =	shalt  }
0x4a: {  	_ =	shalt  }
0x4b: {  	_ =	shalt  }
0x4c: {  	_ =	shalt  }
0x4d: {  	_ =	shalt  }
0x4e: {  	_ =	shalt  }
0x4f: {  	_ =	shalt  }
0x50: {  	_ =	shalt  }
0x51: {  	_ =	shalt  }
0x52: {  	_ =	shalt  }
0x53: {  	_ =	shalt  }
0x54: {  	_ =	shalt  }
0x55: {  	_ =	shalt  }
0x56: {  	_ =	shalt  }
0x57: {  	_ =	shalt  }
0x58: {  	_ =	shalt  }
0x59: {  	_ =	shalt  }
0x5a: {  	_ =	shalt  }
0x5b: {  	_ =	shalt  }
0x5c: {  	_ =	shalt  }
0x5d: {  	_ =	shalt  }
0x5e: {  	_ =	shalt  }
0x5f: {  	_ =	shalt  }
0x60: {  	_ =	shalt  }
0x61: {  	_ =	shalt  }
0x62: {  	_ =	shalt  }
0x63: {  	_ =	shalt  }
0x64: {  	_ =	shalt  }
0x65: {  	_ =	shalt  }
0x66: {  	_ =	shalt  }
0x67: {  	_ =	shalt  }
0x68: {  	_ =	shalt  }
0x69: {  	_ =	shalt  }
0x6a: {  	_ =	shalt  }
0x6b: {  	_ =	shalt  }
0x6c: {  	_ =	shalt  }
0x6d: {  	_ =	shalt  }
0x6e: {  	_ =	shalt  }
0x6f: {  	_ =	shalt  }
0x70: {  	_ =	shalt  }
0x71: {  	_ =	shalt  }
0x72: {  	_ =	shalt  }
0x73: {  	_ =	shalt  }
0x74: {  	_ =	shalt  }
0x75: {  	_ =	shalt  }
0x76: {  	_ =	shalt  }
0x77: {  	_ =	shalt  }
0x78: {  	_ =	shalt  }
0x79: {  	_ =	shalt  }
0x7a: {  	_ =	shalt  }
0x7b: {  	_ =	shalt  }
0x7c: {  	_ =	shalt  }
0x7d: {  	_ =	shalt  }
0x7e: {  	_ =	shalt  }
0x7f: {  	_ =	shalt  }
0x80: {  	_ =	shalt  }
0x81: {  	_ =	shalt  }
0x82: {  	_ =	shalt  }
0x83: {  	_ =	shalt  }
0x84: {  	_ =	shalt  }
0x85: {  	_ =	shalt  }
0x86: {  	_ =	shalt  }
0x87: {  	_ =	shalt  }
.Lfunc_end0:
.L_simem_size_0:
called_computation.1_lowered:
.L_overlay_start_0:
0x88: {  	s2 =	sld [smem:$0x3FD9]  }
0x89: {  	s3 =	sld [smem:$0x3FFE];
	_ =	sdelay $0x1  }
0x8a: {  	s1 =	srdreg.scid  }
0x8b: {  	s0 =	sand.u32 $0x1, s1  }
0x8c: {  	s16 =	sshll.u32 s0, $0xA;
	s2 =	sadd.s32 s3, s2  }
0x8d: {  	s2 =	sadd.s32 s2, s16  }
0x8e: {  	[smem:$0x3FC2] =	sst s2  }
0x8f: {  	_ = 	snop  }
0x90: {  	(tm) =	ssettm $0x1  }
0x91: {  	s17 =	sld [smem:$0x3FFB];
	_ =	sdelay $0x3  }
0x92: {  	_ =	strace s17  }
0x93: {  	s2 =	sld [smem:$0x3FFC];
	_ =	sdelay $0x3  }
0x94: {  	_ =	strace s2  }
0x95: {  	s2 =	sld [smem:$0x3FFD];
	_ =	sdelay $0x3  }
0x96: {  	_ =	strace s2  }
0x97: {  	_ =	strace $0x8FFFFFFF  }
0x98: {  	s18 =	sld [smem:$0x3FDB];
	_ =	sdelay $0x1  }
0x99: {  	s19 =	simm.s32 $_scs_section_size  }
0x9a: {  	s4 =	simm.s32 $_size__tile_overlayer_lowered;
	s5 =	simm.s32 $_tile_overlayer_lowered  }
0x9b: {  	s22 =	simm.s32 $0x1BFF;
	s21 =	sshll.u32 s5, $0x1;
	s2 =	sadd.s32 s19, s18  }
0x9c: {  	s6 =	simm.s32 $0x0;
	s20 =	sshll.u32 s4, $0x1;
	s4 =	sadd.s32 s21, s2  }
0x9d: {  	[timem:s6], [sflag:s22] =	dma.local [hbm:s4], s20  }
0x9e: {  	_ =	swait.ge [sflag:s22], s20  }
0x9f: {  	s3 =	ssub.s32 $0x0, s20;
	[sflag:s22] =	ssyncset.done $0x0  }
0xa0: {  	[sflag:s22] =	ssyncadd.s32 s3;
	_ =	sdelay $0x1  }
0xa1: {  	s23 =	simm.s32 $0x1B8B  }
0xa2: {  	_ =	swait.ge [sflag:s23], $0x1  }
0xa3: {  	[sflag:s23] =	ssyncset.done $0x0  }
0xa4: {  	s25 =	simm.s32 $0x1B8E;
	s24 =	sld [smem:$0x3FFE];
	[sflag:s23] =	ssyncadd.s32 $0xFFFFFFFF  }
0xa5: {  	s26 =	simm.s32 $execute0_lowered;
	[smem:$0x3FD2] =	sst s25  }
0xa6: {  	s4 =	sshll.u32 s26, $0x1;
	_ =	strace $0x80000049;
	[dreg:$0x1] =	wrdreg $0xFFFFFFFF  }
0xa7: {  	s28 =	simm.s32 $_size_execute0_lowered;
	s2 =	sadd.s32 s2, s4;
	[dreg:$0x0] =	wrdreg $0x0  }
0xa8: {  	s4 =	sshll.u32 s28, $0x1;
	[dreg:$0x2] =	wrdreg s2  }
0xa9: {  	[dreg:$0x3] =	wrdreg s4  }
0xaa: {  	[dreg:$0x4] =	wrdreg $0xC0  }
0xab: {  	_ =	task [dreg:s6], $0x5FFFF  }
0xac: {  	[dreg:$0x1] =	wrdreg $0xFFFFFFFF  }
0xad: {  	[dreg:$0x0] =	wrdreg $0x60  }
0xae: {  	[dreg:$0x2] =	wrdreg s24  }
0xaf: {  	[dreg:$0x3] =	wrdreg $0x167900  }
0xb0: {  	[dreg:$0x4] =	wrdreg $0x9  }
0xb1: {  	_ =	task.clear_ibuf [dreg:s6], $0x5FFFF;
	_ =	strace $0x90000049  }
0xb2: {  	s29 =	simm.s32 $0x9;
	_ =	strace $0x8000004B  }
0xb3: {  	_ =	swait.ge [sflag:s29], $0x1  }
0xb4: {  	[sflag:s29] =	ssyncadd.s32 $0xFFFFFFFF  }
0xb5: {  	_ =	strace $0x9000004B  }
0xb6: {  	_ =	sfence  }
0xb7: {  	s30 =	sld [smem:$0x0];
	_ =	sdelay $0x2  }
0xb8: {  	s31 =	sshll.u32 s1, $0xD;
	s1 =	sshrl.u32 s1, $0x2  }
0xb9: {  	s3 =	sand.u32 $0x4000, s31;
	s1 =	sadd.s32 s1, s30  }
0xba: {  	s0 =	sor.u32 s3, s0;
	s1 =	sshll.u32 s1, $0x11  }
0xbb: {  	s0 =	sor.u32 s1, s0  }
0xbc: {  	s0 =	sadd.s32 $0x8F2B, s0  }
0xbd: {  	[sflag:s0] =	ssyncadd.remote.s32 $0x1  }
0xbe: {  	_ =	sfence.sel $0xFFFF  }
0xbf: {  	[dreg:$0x0] =	wrdreg $0xFFFFFFFF;
	(pc) =	sbr.abs _section_cstart, $3  }
0xc0: {  	[dreg:$0x1] =	wrdreg $0xFFFFFFFF  }
0xc1: {  	_ =	task.clear_ibuf [dreg:s6], $0x2FFFF;
	_ =	strace $0x9FFFFFFF  }
0xc2: {  	(tm) =	ssettm $0x7FFFFFFF  }
0xc3: {  	_ =	shalt  }
tec
execute0_lowered:
.L_overlay_start_1:
0x0: {  	(tag) =	ssettag $0x1  }
0x1: {  	s0 =	srdreg.scid  }
0x2: {  	s9 =	stileid.u32;
	s5 =	rddreg [dreg:$0x0]  }
0x3: {  	s2 =	rddreg [dreg:$0x1];
	s3 =	simm.s32 $0x0;
	s19 =	simm.s32 $0x1388  }
0x4: {  	s16 =	simm.s32 $0x4;
	s17 =	simm.s32 $0x3;
	s18 =	simm.s32 $0x80  }
0x5: {  	s11 =	simm.s32 $0x1;
	s12 =	simm.s32 $0x0;
	s0 =	sand.u32 $0x1, s0  }
0x6: {  	[smem:$0x7FF] =	sst s3;
	s6 =	smul.u32 $0x2800, s9;
	s1 =	sshll.u32 s0, $0x4  }
0x7: {  	s4 =	smul.u32 $0x28000, s0;
	s0 =	ssub.s32 $0x2, s0;
	s1 =	sor.u32 s9, s1  }
0x8: {  	s8 =	sshrl.u32 s0, $0x1;
	s9 =	smul.u32 $0xA000, s9;
	s25 =	sadd.s32 s6, s2  }
0x9: {  	_ =	strace $0x8000004A;
	s0 =	ssub.s32 s0, s8;
	s31 =	sshrl.u32 s25, $0x3  }
0xa: {  	s22 =	sshrl.u32 s9, $0x2;
	s0 =	smax.u32 s0, $0x1;
	[dreg:$0xc] =	wrdreg s31  }
0xb: {  	s1 =	smul.u32 $0x1388, s1;
	s23 =	sadd.s32 s22, s2;
	[dreg:$0x7] =	wrdreg s0  }
0xc: {  	s4 =	sadd.s32 s6, s4;
	s26 =	sadd.s32 $0x800, s23;
	[dreg:$0x5] =	wrdreg s23  }
0xd: {  	s7 =	sshrl.u32 s4, $0x3;
	s28 =	sadd.s32 $0x1000, s23;
	[dreg:$0x8] =	wrdreg s26  }
0xe: {  	s1 =	sshrl.u32 s1, $0x3;
	s29 =	sadd.s32 $0x1800, s23;
	[dreg:$0x9] =	wrdreg s28  }
0xf: {  	s1 =	sadd.s32 s1, s5;
	s30 =	sadd.s32 $0x2000, s23;
	[dreg:$0xa] =	wrdreg s29  }
0x10: {  	s4 =	sadd.s32 $0xC200, s5;
	s21 =	sadd.s32 $0x2400, s1;
	[dreg:$0xb] =	wrdreg s30  }
0x11: {  	s5 =	sadd.s32 s7, s5;
	s1 =	sadd.s32 $0x7220, s1;
	[dreg:$0x3] =	wrdreg s21  }
0x12: {  	s14 =	simm.s32 $0x15710;
	s24 =	sadd.s32 $0x11200, s5;
	[dreg:$0x4] =	wrdreg s1  }
0x13: {  	v0 =	vimm.f32 $0.0e+00;
	s10 =	simm.s32 $0x15F10;
	s9 =	simm.s32 $0x14F10;
	[dreg:$0x6] =	wrdreg s24  }
.LBB2_1:
0x14: {  	s13 =	rddreg [dreg:$0x3]  }
0x15: {  	[tilespmem:s3], [sflag:$0x3] =	stream.linear.gather [hbm4b:s13+s3], $0x1388, $0x38;
	[tilespmem:$0x18F90] =	vst v63  }
0x16: {  	s31 =	rddreg [dreg:$0x4]  }
0x17: {  	[tilespmem:s19], [sflag:$0x3] =	stream.linear.gather [hbm4b:s31+s3], $0x1388, $0x38;
	[tilespmem:$0x18F90] =	vst v63  }
0x18: {  	s13 =	simm.s32 $0x40;
	s19 =	simm.s32 $0x0  }
.LBB2_2:
0x19: {  	p0 =	sne.s32 s13, $0x1FC0;
	[tilespmem:s19+$0x15F90] =	vst v0;
	s19 =	smov.u32 s13;
	s13 =	sadd.s32 $0x40, s13  }
.Ltmp0:
0x1a: {  	(pc) =	sbr.rel @p0 .LBB2_2-.Ltmp0, $2  }
0x1b: {  	_ =	sdelay $0x2  }
0x1c: {  	s19 =	sshra.s32 s19, $0x2  }
0x1d: {  	[tilespmem:s19+$0x15F90] =	vst v0;
	s13 =	rddreg [dreg:$0x5];
	s0 =	simm.s32 $0x15F90  }
0x1e: {  	[spmem:s13] =	stream.linear.scatter [tilespmem:s0], [sflag:$0x4], $0x800, $0x38;
	[tilespmem:$0x18F90] =	vst v63  }
0x1f: {  	_ =	swait.ge [sflag:s16], $0x800  }
0x20: {  	[sflag:s16] =	ssyncset.done $0x0  }
0x21: {  	s8 =	rddreg [dreg:$0x8];
	[sflag:s16] =	ssyncadd.s32 $0xFFFFF800  }
0x22: {  	[spmem:s8] =	stream.linear.scatter [tilespmem:s0], [sflag:$0x4], $0x800, $0x38;
	[tilespmem:$0x18F90] =	vst v63  }
0x23: {  	_ =	swait.ge [sflag:s16], $0x800  }
0x24: {  	[sflag:s16] =	ssyncset.done $0x0  }
0x25: {  	s15 =	rddreg [dreg:$0x9];
	[sflag:s16] =	ssyncadd.s32 $0xFFFFF800  }
0x26: {  	[spmem:s15] =	stream.linear.scatter [tilespmem:s0], [sflag:$0x4], $0x800, $0x38;
	[tilespmem:$0x18F90] =	vst v63  }
0x27: {  	_ =	swait.ge [sflag:s16], $0x800  }
0x28: {  	[sflag:s16] =	ssyncset.done $0x0  }
0x29: {  	s19 =	rddreg [dreg:$0xa];
	[sflag:s16] =	ssyncadd.s32 $0xFFFFF800  }
0x2a: {  	[spmem:s19] =	stream.linear.scatter [tilespmem:s0], [sflag:$0x4], $0x800, $0x38;
	[tilespmem:$0x18F90] =	vst v63  }
0x2b: {  	_ =	swait.ge [sflag:s16], $0x800  }
0x2c: {  	[sflag:s16] =	ssyncset.done $0x0  }
0x2d: {  	s20 =	rddreg [dreg:$0xb];
	[sflag:s16] =	ssyncadd.s32 $0xFFFFF800  }
0x2e: {  	[spmem:s20] =	stream.linear.scatter [tilespmem:s0], [sflag:$0x4], $0x800, $0x38;
	[tilespmem:$0x18F90] =	vst v63  }
0x2f: {  	_ =	swait.ge [sflag:s16], $0x800  }
0x30: {  	[sflag:s16] =	ssyncset.done $0x0  }
0x31: {  	[sflag:s16] =	ssyncadd.s32 $0xFFFFF800  }
0x32: {  	_ =	swait.ge [sflag:s17], $0x1388  }
0x33: {  	[sflag:s17] =	ssyncset.done $0x0  }
0x34: {  	[sflag:s17] =	ssyncadd.s32 $0xFFFFEC78  }
0x35: {  	_ =	swait.ge [sflag:s17], $0x1388  }
0x36: {  	[sflag:s17] =	ssyncset.done $0x0  }
0x37: {  	[sflag:s17] =	ssyncadd.s32 $0xFFFFEC78  }
0x38: {  	s19 =	simm.s32 $0x2710;
	[bflag:$0x0] =	sbarrier.arrive $0xFFFF  }
0x39: {  	[tilespmem:s19], [sflag:$0x1] =	stream.indirect.gather [hbm4b:s4+s18], $0x10, s3, s18, $0xb8;
	[tilespmem:$0x18F90] =	vst v63  }
0x3a: {  	s20 =	simm.s32 $0x2F10  }
0x3b: {  	[tilespmem:s20], [sflag:$0x1] =	stream.indirect.gather [hbm4b:s4+s18], $0x10, s18, s18, $0xb8;
	[tilespmem:$0x18F90] =	vst v63  }
0x3c: {  	s21 =	simm.s32 $0x100;
	s22 =	simm.s32 $0x3710  }
0x3d: {  	[tilespmem:s22], [sflag:$0x1] =	stream.indirect.gather [hbm4b:s4+s18], $0x10, s21, s18, $0xb8;
	[tilespmem:$0x18F90] =	vst v63  }
0x3e: {  	s23 =	simm.s32 $0x180;
	s24 =	simm.s32 $0x3F10  }
0x3f: {  	[tilespmem:s24], [sflag:$0x1] =	stream.indirect.gather [hbm4b:s4+s18], $0x10, s23, s18, $0xb8;
	[tilespmem:$0x18F90] =	vst v63  }
0x40: {  	s25 =	simm.s32 $0x200;
	s28 =	simm.s32 $0x4710  }
0x41: {  	[tilespmem:s28], [sflag:$0x1] =	stream.indirect.gather [hbm4b:s4+s18], $0x10, s25, s18, $0xb8;
	[tilespmem:$0x18F90] =	vst v63  }
0x42: {  	s26 =	simm.s32 $0x280;
	s30 =	simm.s32 $0x4F10  }
0x43: {  	[tilespmem:s30], [sflag:$0x1] =	stream.indirect.gather [hbm4b:s4+s18], $0x10, s26, s18, $0xb8;
	[tilespmem:$0x18F90] =	vst v63  }
0x44: {  	s29 =	simm.s32 $0x300;
	s25 =	simm.s32 $0x5710  }
0x45: {  	[tilespmem:s25], [sflag:$0x1] =	stream.indirect.gather [hbm4b:s4+s18], $0x10, s29, s18, $0xb8;
	[tilespmem:$0x18F90] =	vst v63  }
0x46: {  	s31 =	simm.s32 $0x380;
	s1 =	simm.s32 $0x5F10  }
0x47: {  	[tilespmem:s1], [sflag:$0x1] =	stream.indirect.gather [hbm4b:s4+s18], $0x10, s31, s18, $0xb8;
	[tilespmem:$0x18F90] =	vst v63  }
0x48: {  	s0 =	simm.s32 $0x400;
	s21 =	simm.s32 $0x6710  }
0x49: {  	[tilespmem:s21], [sflag:$0x1] =	stream.indirect.gather [hbm4b:s4+s18], $0x10, s0, s18, $0xb8;
	[tilespmem:$0x18F90] =	vst v63  }
0x4a: {  	s3 =	simm.s32 $0x480;
	s26 =	simm.s32 $0x6F10  }
0x4b: {  	[tilespmem:s26], [sflag:$0x1] =	stream.indirect.gather [hbm4b:s4+s18], $0x10, s3, s18, $0xb8;
	[tilespmem:$0x18F90] =	vst v63  }
0x4c: {  	s5 =	simm.s32 $0x500;
	s3 =	simm.s32 $0x7710  }
0x4d: {  	[tilespmem:s3], [sflag:$0x1] =	stream.indirect.gather [hbm4b:s4+s18], $0x10, s5, s18, $0xb8;
	[tilespmem:$0x18F90] =	vst v63  }
0x4e: {  	s6 =	simm.s32 $0x580;
	s31 =	simm.s32 $0x7F10  }
0x4f: {  	[tilespmem:s31], [sflag:$0x1] =	stream.indirect.gather [hbm4b:s4+s18], $0x10, s6, s18, $0xb8;
	[tilespmem:$0x18F90] =	vst v63  }
0x50: {  	s7 =	simm.s32 $0x600;
	s23 =	simm.s32 $0x8710  }
0x51: {  	[tilespmem:s23], [sflag:$0x1] =	stream.indirect.gather [hbm4b:s4+s18], $0x10, s7, s18, $0xb8;
	[tilespmem:$0x18F90] =	vst v63  }
0x52: {  	s8 =	simm.s32 $0x680;
	s0 =	simm.s32 $0x8F10  }
0x53: {  	[tilespmem:s0], [sflag:$0x1] =	stream.indirect.gather [hbm4b:s4+s18], $0x10, s8, s18, $0xb8;
	[tilespmem:$0x18F90] =	vst v63  }
0x54: {  	s15 =	simm.s32 $0x700;
	s29 =	simm.s32 $0x9710  }
0x55: {  	[tilespmem:s29], [sflag:$0x1] =	stream.indirect.gather [hbm4b:s4+s18], $0x10, s15, s18, $0xb8;
	[tilespmem:$0x18F90] =	vst v63  }
0x56: {  	s5 =	simm.s32 $0x780;
	s7 =	simm.s32 $0x9F10  }
0x57: {  	[tilespmem:s7], [sflag:$0x1] =	stream.indirect.gather [hbm4b:s4+s18], $0x10, s5, s18, $0xb8;
	[tilespmem:$0x18F90] =	vst v63  }
0x58: {  	s6 =	simm.s32 $0x800;
	s5 =	simm.s32 $0xA710  }
0x59: {  	[tilespmem:s5], [sflag:$0x1] =	stream.indirect.gather [hbm4b:s4+s18], $0x10, s6, s18, $0xb8;
	[tilespmem:$0x18F90] =	vst v63  }
0x5a: {  	s8 =	simm.s32 $0x880;
	s6 =	simm.s32 $0xAF10  }
0x5b: {  	[tilespmem:s6], [sflag:$0x1] =	stream.indirect.gather [hbm4b:s4+s18], $0x10, s8, s18, $0xb8;
	[tilespmem:$0x18F90] =	vst v63  }
0x5c: {  	s15 =	simm.s32 $0x900;
	s8 =	simm.s32 $0xB710  }
0x5d: {  	[tilespmem:s8], [sflag:$0x1] =	stream.indirect.gather [hbm4b:s4+s18], $0x10, s15, s18, $0xb8;
	[tilespmem:$0x18F90] =	vst v63  }
0x5e: {  	_ =	swait.ge [sflag:s11], $0x9800  }
0x5f: {  	[sflag:s11] =	ssyncset.done $0x0  }
0x60: {  	s15 =	simm.s32 $0x1388;
	[sflag:s11] =	ssyncadd.s32 $0xFFFF6800  }
0x61: {  	[spmem:s2] =	stream.indirect.scatter.add.f32 [tilespmem:s19], [sflag:$0x2], $0x10, s15, s18, $0xb8;
	[tilespmem:$0x18F90] =	vst v63  }
0x62: {  	s19 =	simm.s32 $0x1408  }
0x63: {  	[spmem:s2] =	stream.indirect.scatter.add.f32 [tilespmem:s20], [sflag:$0x2], $0x10, s19, s18, $0xb8;
	[tilespmem:$0x18F90] =	vst v63  }
0x64: {  	s20 =	simm.s32 $0x1488  }
0x65: {  	[spmem:s2] =	stream.indirect.scatter.add.f32 [tilespmem:s22], [sflag:$0x2], $0x10, s20, s18, $0xb8;
	[tilespmem:$0x18F90] =	vst v63  }
0x66: {  	s22 =	simm.s32 $0x1508  }
0x67: {  	[spmem:s2] =	stream.indirect.scatter.add.f32 [tilespmem:s24], [sflag:$0x2], $0x10, s22, s18, $0xb8;
	[tilespmem:$0x18F90] =	vst v63  }
0x68: {  	s24 =	simm.s32 $0x1588  }
0x69: {  	[spmem:s2] =	stream.indirect.scatter.add.f32 [tilespmem:s28], [sflag:$0x2], $0x10, s24, s18, $0xb8;
	[tilespmem:$0x18F90] =	vst v63  }
0x6a: {  	s28 =	simm.s32 $0x1608  }
0x6b: {  	[spmem:s2] =	stream.indirect.scatter.add.f32 [tilespmem:s30], [sflag:$0x2], $0x10, s28, s18, $0xb8;
	[tilespmem:$0x18F90] =	vst v63  }
0x6c: {  	s15 =	simm.s32 $0x1688  }
0x6d: {  	[spmem:s2] =	stream.indirect.scatter.add.f32 [tilespmem:s25], [sflag:$0x2], $0x10, s15, s18, $0xb8;
	[tilespmem:$0x18F90] =	vst v63  }
0x6e: {  	s19 =	simm.s32 $0x1708  }
0x6f: {  	[spmem:s2] =	stream.indirect.scatter.add.f32 [tilespmem:s1], [sflag:$0x2], $0x10, s19, s18, $0xb8;
	[tilespmem:$0x18F90] =	vst v63  }
0x70: {  	s20 =	simm.s32 $0x1788  }
0x71: {  	[spmem:s2] =	stream.indirect.scatter.add.f32 [tilespmem:s21], [sflag:$0x2], $0x10, s20, s18, $0xb8;
	[tilespmem:$0x18F90] =	vst v63  }
0x72: {  	s21 =	simm.s32 $0x1808  }
0x73: {  	[spmem:s2] =	stream.indirect.scatter.add.f32 [tilespmem:s26], [sflag:$0x2], $0x10, s21, s18, $0xb8;
	[tilespmem:$0x18F90] =	vst v63  }
0x74: {  	s22 =	simm.s32 $0x1888  }
0x75: {  	[spmem:s2] =	stream.indirect.scatter.add.f32 [tilespmem:s3], [sflag:$0x2], $0x10, s22, s18, $0xb8;
	[tilespmem:$0x18F90] =	vst v63  }
0x76: {  	s24 =	simm.s32 $0x1908  }
0x77: {  	[spmem:s2] =	stream.indirect.scatter.add.f32 [tilespmem:s31], [sflag:$0x2], $0x10, s24, s18, $0xb8;
	[tilespmem:$0x18F90] =	vst v63  }
0x78: {  	s25 =	simm.s32 $0x1988  }
0x79: {  	[spmem:s2] =	stream.indirect.scatter.add.f32 [tilespmem:s23], [sflag:$0x2], $0x10, s25, s18, $0xb8;
	[tilespmem:$0x18F90] =	vst v63  }
0x7a: {  	s26 =	simm.s32 $0x1A08  }
0x7b: {  	[spmem:s2] =	stream.indirect.scatter.add.f32 [tilespmem:s0], [sflag:$0x2], $0x10, s26, s18, $0xb8;
	[tilespmem:$0x18F90] =	vst v63  }
0x7c: {  	s28 =	simm.s32 $0x1A88  }
0x7d: {  	[spmem:s2] =	stream.indirect.scatter.add.f32 [tilespmem:s29], [sflag:$0x2], $0x10, s28, s18, $0xb8;
	[tilespmem:$0x18F90] =	vst v63  }
0x7e: {  	s30 =	simm.s32 $0x1B08  }
0x7f: {  	[spmem:s2] =	stream.indirect.scatter.add.f32 [tilespmem:s7], [sflag:$0x2], $0x10, s30, s18, $0xb8;
	[tilespmem:$0x18F90] =	vst v63  }
0x80: {  	s31 =	simm.s32 $0x1B88  }
0x81: {  	[spmem:s2] =	stream.indirect.scatter.add.f32 [tilespmem:s5], [sflag:$0x2], $0x10, s31, s18, $0xb8;
	[tilespmem:$0x18F90] =	vst v63  }
0x82: {  	s1 =	simm.s32 $0x1C08  }
0x83: {  	[spmem:s2] =	stream.indirect.scatter.add.f32 [tilespmem:s6], [sflag:$0x2], $0x10, s1, s18, $0xb8;
	[tilespmem:$0x18F90] =	vst v63  }
0x84: {  	s5 =	simm.s32 $0x1C88  }
0x85: {  	[spmem:s2] =	stream.indirect.scatter.add.f32 [tilespmem:s8], [sflag:$0x2], $0x10, s5, s18, $0xb8;
	[tilespmem:$0x18F90] =	vst v63  }
0x86: {  	s6 =	simm.s32 $0x980;
	s1 =	simm.s32 $0xBF10  }
0x87: {  	[tilespmem:s1], [sflag:$0x1] =	stream.indirect.gather [hbm4b:s4+s18], $0x10, s6, s18, $0xb8;
	[tilespmem:$0x18F90] =	vst v63  }
0x88: {  	s7 =	simm.s32 $0xA00;
	s5 =	simm.s32 $0xC710  }
0x89: {  	[tilespmem:s5], [sflag:$0x1] =	stream.indirect.gather [hbm4b:s4+s18], $0x10, s7, s18, $0xb8;
	[tilespmem:$0x18F90] =	vst v63  }
0x8a: {  	s8 =	simm.s32 $0xA80;
	s6 =	simm.s32 $0xCF10  }
0x8b: {  	[tilespmem:s6], [sflag:$0x1] =	stream.indirect.gather [hbm4b:s4+s18], $0x10, s8, s18, $0xb8;
	[tilespmem:$0x18F90] =	vst v63  }
0x8c: {  	s13 =	simm.s32 $0xB00;
	s7 =	simm.s32 $0xD710  }
0x8d: {  	[tilespmem:s7], [sflag:$0x1] =	stream.indirect.gather [hbm4b:s4+s18], $0x10, s13, s18, $0xb8;
	[tilespmem:$0x18F90] =	vst v63  }
0x8e: {  	s15 =	simm.s32 $0xB80;
	s8 =	simm.s32 $0xDF10  }
0x8f: {  	[tilespmem:s8], [sflag:$0x1] =	stream.indirect.gather [hbm4b:s4+s18], $0x10, s15, s18, $0xb8;
	[tilespmem:$0x18F90] =	vst v63  }
0x90: {  	s19 =	simm.s32 $0xC00;
	s13 =	simm.s32 $0xE710  }
0x91: {  	[tilespmem:s13], [sflag:$0x1] =	stream.indirect.gather [hbm4b:s4+s18], $0x10, s19, s18, $0xb8;
	[tilespmem:$0x18F90] =	vst v63  }
0x92: {  	s20 =	simm.s32 $0xC80;
	s19 =	simm.s32 $0xEF10  }
0x93: {  	[tilespmem:s19], [sflag:$0x1] =	stream.indirect.gather [hbm4b:s4+s18], $0x10, s20, s18, $0xb8;
	[tilespmem:$0x18F90] =	vst v63  }
0x94: {  	s21 =	simm.s32 $0xD00;
	s20 =	simm.s32 $0xF710  }
0x95: {  	[tilespmem:s20], [sflag:$0x1] =	stream.indirect.gather [hbm4b:s4+s18], $0x10, s21, s18, $0xb8;
	[tilespmem:$0x18F90] =	vst v63  }
0x96: {  	s22 =	simm.s32 $0xD80;
	s21 =	simm.s32 $0xFF10  }
0x97: {  	[tilespmem:s21], [sflag:$0x1] =	stream.indirect.gather [hbm4b:s4+s18], $0x10, s22, s18, $0xb8;
	[tilespmem:$0x18F90] =	vst v63  }
0x98: {  	s23 =	simm.s32 $0xE00;
	s22 =	simm.s32 $0x10710  }
0x99: {  	[tilespmem:s22], [sflag:$0x1] =	stream.indirect.gather [hbm4b:s4+s18], $0x10, s23, s18, $0xb8;
	[tilespmem:$0x18F90] =	vst v63  }
0x9a: {  	s24 =	simm.s32 $0xE80;
	s23 =	simm.s32 $0x10F10  }
0x9b: {  	[tilespmem:s23], [sflag:$0x1] =	stream.indirect.gather [hbm4b:s4+s18], $0x10, s24, s18, $0xb8;
	[tilespmem:$0x18F90] =	vst v63  }
0x9c: {  	s25 =	simm.s32 $0xF00;
	s24 =	simm.s32 $0x11710  }
0x9d: {  	[tilespmem:s24], [sflag:$0x1] =	stream.indirect.gather [hbm4b:s4+s18], $0x10, s25, s18, $0xb8;
	[tilespmem:$0x18F90] =	vst v63  }
0x9e: {  	s26 =	simm.s32 $0xF80;
	s25 =	simm.s32 $0x11F10  }
0x9f: {  	[tilespmem:s25], [sflag:$0x1] =	stream.indirect.gather [hbm4b:s4+s18], $0x10, s26, s18, $0xb8;
	[tilespmem:$0x18F90] =	vst v63  }
0xa0: {  	s28 =	simm.s32 $0x1000;
	s26 =	simm.s32 $0x12710  }
0xa1: {  	[tilespmem:s26], [sflag:$0x1] =	stream.indirect.gather [hbm4b:s4+s18], $0x10, s28, s18, $0xb8;
	[tilespmem:$0x18F90] =	vst v63  }
0xa2: {  	s29 =	simm.s32 $0x1080;
	s28 =	simm.s32 $0x12F10  }
0xa3: {  	[tilespmem:s28], [sflag:$0x1] =	stream.indirect.gather [hbm4b:s4+s18], $0x10, s29, s18, $0xb8;
	[tilespmem:$0x18F90] =	vst v63  }
0xa4: {  	s30 =	simm.s32 $0x1100;
	s29 =	simm.s32 $0x13710  }
0xa5: {  	[tilespmem:s29], [sflag:$0x1] =	stream.indirect.gather [hbm4b:s4+s18], $0x10, s30, s18, $0xb8;
	[tilespmem:$0x18F90] =	vst v63  }
0xa6: {  	s31 =	simm.s32 $0x1180;
	s30 =	simm.s32 $0x13F10  }
0xa7: {  	[tilespmem:s30], [sflag:$0x1] =	stream.indirect.gather [hbm4b:s4+s18], $0x10, s31, s18, $0xb8;
	[tilespmem:$0x18F90] =	vst v63  }
0xa8: {  	s15 =	simm.s32 $0x1200;
	s31 =	simm.s32 $0x14710  }
0xa9: {  	[tilespmem:s31], [sflag:$0x1] =	stream.indirect.gather [hbm4b:s4+s18], $0x10, s15, s18, $0xb8;
	[tilespmem:$0x18F90] =	vst v63  }
0xaa: {  	s15 =	simm.s32 $0x1280  }
0xab: {  	[tilespmem:s9], [sflag:$0x1] =	stream.indirect.gather [hbm4b:s4+s18], $0x10, s15, s18, $0xb8;
	[tilespmem:$0x18F90] =	vst v63  }
0xac: {  	s15 =	simm.s32 $0x1300  }
0xad: {  	[tilespmem:s14], [sflag:$0x1] =	stream.indirect.gather [hbm4b:s4+s18], $0x10, s15, s18, $0xb8;
	[tilespmem:$0x18F90] =	vst v63  }
0xae: {  	s0 =	simm.s32 $0x8;
	s15 =	simm.s32 $0x1380  }
0xaf: {  	[tilespmem:s10], [sflag:$0x1] =	stream.indirect.gather [hbm4b:s4+s0], $0x10, s15, s0, $0xb8;
	[tilespmem:$0x18F90] =	vst v63  }
0xb0: {  	_ =	swait.ge [sflag:s11], $0xA080  }
0xb1: {  	[sflag:s11] =	ssyncset.done $0x0  }
0xb2: {  	s15 =	simm.s32 $0x1D08;
	[sflag:s11] =	ssyncadd.s32 $0xFFFF5F80  }
0xb3: {  	[spmem:s2] =	stream.indirect.scatter.add.f32 [tilespmem:s1], [sflag:$0x2], $0x10, s15, s18, $0xb8;
	[tilespmem:$0x18F90] =	vst v63  }
0xb4: {  	s15 =	simm.s32 $0x1D88  }
0xb5: {  	[spmem:s2] =	stream.indirect.scatter.add.f32 [tilespmem:s5], [sflag:$0x2], $0x10, s15, s18, $0xb8;
	[tilespmem:$0x18F90] =	vst v63  }
0xb6: {  	s5 =	simm.s32 $0x1E08  }
0xb7: {  	[spmem:s2] =	stream.indirect.scatter.add.f32 [tilespmem:s6], [sflag:$0x2], $0x10, s5, s18, $0xb8;
	[tilespmem:$0x18F90] =	vst v63  }
0xb8: {  	s6 =	simm.s32 $0x1E88  }
0xb9: {  	[spmem:s2] =	stream.indirect.scatter.add.f32 [tilespmem:s7], [sflag:$0x2], $0x10, s6, s18, $0xb8;
	[tilespmem:$0x18F90] =	vst v63  }
0xba: {  	s7 =	simm.s32 $0x1F08  }
0xbb: {  	[spmem:s2] =	stream.indirect.scatter.add.f32 [tilespmem:s8], [sflag:$0x2], $0x10, s7, s18, $0xb8;
	[tilespmem:$0x18F90] =	vst v63  }
0xbc: {  	s8 =	simm.s32 $0x1F88  }
0xbd: {  	[spmem:s2] =	stream.indirect.scatter.add.f32 [tilespmem:s13], [sflag:$0x2], $0x10, s8, s18, $0xb8;
	[tilespmem:$0x18F90] =	vst v63  }
0xbe: {  	s15 =	simm.s32 $0x2008  }
0xbf: {  	[spmem:s2] =	stream.indirect.scatter.add.f32 [tilespmem:s19], [sflag:$0x2], $0x10, s15, s18, $0xb8;
	[tilespmem:$0x18F90] =	vst v63  }
0xc0: {  	s19 =	simm.s32 $0x2088  }
0xc1: {  	[spmem:s2] =	stream.indirect.scatter.add.f32 [tilespmem:s20], [sflag:$0x2], $0x10, s19, s18, $0xb8;
	[tilespmem:$0x18F90] =	vst v63  }
0xc2: {  	s5 =	simm.s32 $0x2108  }
0xc3: {  	[spmem:s2] =	stream.indirect.scatter.add.f32 [tilespmem:s21], [sflag:$0x2], $0x10, s5, s18, $0xb8;
	[tilespmem:$0x18F90] =	vst v63  }
0xc4: {  	s6 =	simm.s32 $0x2188  }
0xc5: {  	[spmem:s2] =	stream.indirect.scatter.add.f32 [tilespmem:s22], [sflag:$0x2], $0x10, s6, s18, $0xb8;
	[tilespmem:$0x18F90] =	vst v63  }
0xc6: {  	s7 =	simm.s32 $0x2208  }
0xc7: {  	[spmem:s2] =	stream.indirect.scatter.add.f32 [tilespmem:s23], [sflag:$0x2], $0x10, s7, s18, $0xb8;
	[tilespmem:$0x18F90] =	vst v63  }
0xc8: {  	s8 =	simm.s32 $0x2288  }
0xc9: {  	[spmem:s2] =	stream.indirect.scatter.add.f32 [tilespmem:s24], [sflag:$0x2], $0x10, s8, s18, $0xb8;
	[tilespmem:$0x18F90] =	vst v63  }
0xca: {  	s13 =	simm.s32 $0x2308  }
0xcb: {  	[spmem:s2] =	stream.indirect.scatter.add.f32 [tilespmem:s25], [sflag:$0x2], $0x10, s13, s18, $0xb8;
	[tilespmem:$0x18F90] =	vst v63  }
0xcc: {  	s15 =	simm.s32 $0x2388  }
0xcd: {  	[spmem:s2] =	stream.indirect.scatter.add.f32 [tilespmem:s26], [sflag:$0x2], $0x10, s15, s18, $0xb8;
	[tilespmem:$0x18F90] =	vst v63  }
0xce: {  	s19 =	simm.s32 $0x2408  }
0xcf: {  	[spmem:s2] =	stream.indirect.scatter.add.f32 [tilespmem:s28], [sflag:$0x2], $0x10, s19, s18, $0xb8;
	[tilespmem:$0x18F90] =	vst v63  }
0xd0: {  	s20 =	simm.s32 $0x2488  }
0xd1: {  	[spmem:s2] =	stream.indirect.scatter.add.f32 [tilespmem:s29], [sflag:$0x2], $0x10, s20, s18, $0xb8;
	[tilespmem:$0x18F90] =	vst v63  }
0xd2: {  	s21 =	simm.s32 $0x2508  }
0xd3: {  	[spmem:s2] =	stream.indirect.scatter.add.f32 [tilespmem:s30], [sflag:$0x2], $0x10, s21, s18, $0xb8;
	[tilespmem:$0x18F90] =	vst v63  }
0xd4: {  	s22 =	simm.s32 $0x2588  }
0xd5: {  	[spmem:s2] =	stream.indirect.scatter.add.f32 [tilespmem:s31], [sflag:$0x2], $0x10, s22, s18, $0xb8;
	[tilespmem:$0x18F90] =	vst v63  }
0xd6: {  	s23 =	simm.s32 $0x2608  }
0xd7: {  	[spmem:s2] =	stream.indirect.scatter.add.f32 [tilespmem:s9], [sflag:$0x2], $0x10, s23, s18, $0xb8;
	[tilespmem:$0x18F90] =	vst v63  }
0xd8: {  	s24 =	simm.s32 $0x2688  }
0xd9: {  	[spmem:s2] =	stream.indirect.scatter.add.f32 [tilespmem:s14], [sflag:$0x2], $0x10, s24, s18, $0xb8;
	[tilespmem:$0x18F90] =	vst v63  }
0xda: {  	s25 =	simm.s32 $0x2708;
	s26 =	simm.s32 $0x2  }
0xdb: {  	[spmem:s2] =	stream.indirect.scatter.add.f32 [tilespmem:s10], [sflag:$0x2], $0x10, s25, s0, $0xb8;
	[tilespmem:$0x18F90] =	vst v63  }
0xdc: {  	_ =	swait.ge [sflag:s26], $0x13880  }
0xdd: {  	[sflag:s26] =	ssyncset.done $0x0  }
0xde: {  	[sflag:s26] =	ssyncadd.s32 $0xFFFEC780  }
0xdf: {  	s28 =	stileid.u32;
	[bflag:$0x0] =	sbarrier.arrive $0xFFFF  }
0xe0: {  	s13 =	sshll.u32 s28, $0x6;
	s29 =	rddreg [dreg:$0x6]  }
0xe1: {  	s13 =	sor.u32 $0x1C04, s13;
	s30 =	rddreg [dreg:$0xc]  }
0xe2: {  	[hbm:s29], [sflag:s13] =	dma.local [spmem:s30], $0x500  }
0xe3: {  	_ =	swait.ge [sflag:s16], $0x500  }
0xe4: {  	s12 =	sadd.s32 $0x1, s12;
	s31 =	rddreg [dreg:$0x7]  }
0xe5: {  	p0 =	sne.s32 s12, s31  }
.Ltmp1:
0xe6: {  	_ = 	snop;
	(pc) =	sbr.rel @p0 .LBB2_1-.Ltmp1, $3  }
0xe7: {  	_ =	sdelay $0x1  }
0xe8: {  	[sflag:s16] =	ssyncset.done $0x0  }
0xe9: {  	s3 =	simm.s32 $0x0;
	s19 =	simm.s32 $0x1388;
	[sflag:s16] =	ssyncadd.s32 $0xFFFFFB00  }
0xea: {  	_ =	sfence.sel $0x180000  }
0xeb: {  	[bflag:$0x0] =	sbarrier.arrive $0xFFFF  }
0xec: {  	_ =	strace $0x9000004A  }
0xed: {  	s0 =	stileid.u32;
	[bflag:$0x2] =	sbarrier.arrive $0xFFFF  }
0xee: {  	p0 =	sne.s32 s0, $0x0;
	s0 =	rddreg [dreg:$0x2]  }
0xef: {  	s0 =	sadd.s32 @!p0 $0x100000, s0  }
0xf0: {  	[sflag:s0] =	ssyncadd.tile.s32 @!p0 $0x1;
	_ =	shalt  }
.Lfunc_end2:
_tile_overlayer_lowered:
.L_overlay_start_2:
0xf1: {  	(tag) =	ssettag $0x2  }
0xf2: {  	s0 =	rddreg [dreg:$0x0];
	s2 =	stileid.u32  }
0xf3: {  	s1 =	rddreg [dreg:$0x1];
	p0 =	sne.s32 s2, $0x0  }
0xf4: {  	s3 =	rddreg [dreg:$0x2];
	[bflag:$0x3] =	sbarrier.arrive $0xFFFF;
	s2 =	simm.s32 @!p0 $0x1C04  }
0xf5: {  	[timem:s3], [sflag:s2] =	dma.local @!p0 [hbm:s0], s1  }
0xf6: {  	s0 =	simm.s32 @!p0 $0x4  }
0xf7: {  	_ =	swait.ge @!p0 [sflag:s0], s1  }
0xf8: {  	s1 =	ssub.s32 @!p0 $0x0, s1;
	[sflag:s0] =	ssyncset.done @!p0 $0x0  }
0xf9: {  	[sflag:s0] =	ssyncadd.s32 @!p0 s1  }
0xfa: {  	[bflag:$0x3] =	sbarrier.arrive $0xFFFF  }
0xfb: {  	_ =	shalt  }

// kernel: kernel.15.cloned.1.call-start
scs
__scs_entry_jumppad:
0x0: {  	(pc) =	sbr.rel $0x88, $3  }
0x1: {  	(tag) =	ssettag $0x0;
	lr =	simm.s32 $0x1  }
0x2: {  	[smem:$0x3F9B] =	sst lr;
	_ =	strace $0xD0000000  }
0x3: {  	_ = 	snop  }
0x4: {  	_ = 	snop  }
0x5: {  	_ = 	snop  }
0x6: {  	_ = 	snop  }
0x7: {  	_ = 	snop  }
__scs_overlays_trampoline_lowered:
0x8: {  	[smem:$0x3FAA] =	sst s0  }
0x9: {  	[smem:$0x3FAB] =	sst s1  }
0xa: {  	[smem:$0x3FAC] =	sst s2  }
0xb: {  	[smem:$0x3FAD] =	sst s3  }
0xc: {  	[smem:$0x3FAE] =	sst s4  }
0xd: {  	[smem:$0x3FAF] =	sst s5  }
0xe: {  	[smem:$0x3FB0] =	sst s6  }
0xf: {  	[smem:$0x3FB1] =	sst s7  }
0x10: {  	[smem:$0x3FB2] =	sst s8  }
0x11: {  	[smem:$0x3FB3] =	sst s9;
	s0 =	simm.s32 @!p0 $0x0  }
0x12: {  	s1 =	sld [smem:$0x3F99];
	s0 =	simm.s32 @p0 $0x1  }
0x13: {  	[smem:$0x3FB4] =	sst s0;
	s0 =	simm.s32 @!p1 $0x0  }
0x14: {  	s2 =	sld [smem:$0x3F98];
	s0 =	simm.s32 @p1 $0x1  }
0x15: {  	[smem:$0x3FB5] =	sst s0;
	s0 =	simm.s32 @!p2 $0x0  }
0x16: {  	s3 =	sld [smem:$0x3FDB];
	s0 =	simm.s32 @p2 $0x1  }
0x17: {  	s4 =	simm.s32 $0x1BF5;
	[smem:$0x3FB7] =	sst s0  }
0x18: {  	s0 =	sld [smem:$0x3F9A];
	_ =	swait.ge [sflag:s4], $0x0  }
0x19: {  	s7 =	sld [smem:$0x3F9B]  }
0x1a: {  	s8 =	sadd.s32 $0xFFFFE003, lr  }
0x1b: {  	s9 =	sadd.s32 $0xFFFFFEF7, lr;
	s5 =	simm.s32 $0xFFFFFFFF;
	p2 =	slt.u32 s8, $0xFFFFF086  }
0x1c: {  	p1 =	slt.u32 s9, $0xF7A;
	s5 =	simm.s32 @!p2 $0x0  }
0x1d: {  	s5 =	simm.s32 @p1 $0x1;
	p0 =	seq.s32 s7, s2  }
0x1e: {  	s7 =	smul.u32 @!p0 $0xF7A, s2;
	p2 =	seq.s32 @!p0 s5, $0x0  }
0x1f: {  	s9 =	smul.u32 $0xF7A, s1;
	s8 =	simm.s32 @!p0 $0x1BF5;
	p2 =	por !p2, p0  }
0x20: {  	[sflag:s8] =	ssyncset.s32 @!p0 $0xFFFFF086;
	s6 =	sadd.s32 @!p0 s3, s7;
	s7 =	simm.s32 @!p0 $0x108  }
0x21: {  	s3 =	sadd.s32 s3, s9;
	s6 =	sadd.s32 @!p0 $0x88, s6;
	s7 =	simm.s32 @p2 $0x1082  }
0x22: {  	[simem:s7], [sflag:s8] =	dma.local @!p0 [hbm:s6], $0xF7A  }
0x23: {  	s9 =	sor.u32 $0xD0000000, s2;
	s6 =	simm.s32 $0x108;
	_ =	swait.ge @!p0 [sflag:s8], $0x0  }
0x24: {  	s3 =	sadd.s32 $0x88, s3;
	s6 =	simm.s32 @!p1 $0x1082;
	[sflag:s4] =	ssyncset.s32 $0xFFFFF086  }
0x25: {  	[simem:s6], [sflag:s4] =	dma.local [hbm:s3], $0xF7A  }
0x26: {  	[smem:$0x3F9B] =	sst s1;
	(tag) =	ssettag s2;
	_ =	strace s9  }
0x27: {  	s1 =	sld [smem:$0x3FAB]  }
0x28: {  	s2 =	sld [smem:$0x3FAC]  }
0x29: {  	s4 =	sld [smem:$0x3FAE]  }
0x2a: {  	p0 =	seq.s32 s5, $0x0;
	s5 =	sld [smem:$0x3FAF]  }
0x2b: {  	s6 =	sld [smem:$0x3FB0]  }
0x2c: {  	s7 =	sld [smem:$0x3FB1]  }
0x2d: {  	s3 =	simm.s32 $0x108;
	s8 =	sld [smem:$0x3FB2]  }
0x2e: {  	s3 =	simm.s32 @!p0 $0x1082;
	s9 =	sld [smem:$0x3FB3]  }
0x2f: {  	lr =	sadd.s32 s0, s3;
	s0 =	sld [smem:$0x3FAA]  }
0x30: {  	s3 =	sld [smem:$0x3FAD]  }
0x31: {  	[smem:$0x3FB6] =	sst s10  }
0x32: {  	s10 =	sld [smem:$0x3FB4];
	_ =	sdelay $0x3  }
0x33: {  	p0 =	seq.s32 s10, $0x1;
	s10 =	sld [smem:$0x3FB6];
	_ =	sdelay $0x3  }
0x34: {  	[smem:$0x3FB6] =	sst s10  }
0x35: {  	s10 =	sld [smem:$0x3FB5];
	_ =	sdelay $0x3  }
0x36: {  	p1 =	seq.s32 s10, $0x1;
	s10 =	sld [smem:$0x3FB6];
	_ =	sdelay $0x3  }
0x37: {  	[smem:$0x3FB6] =	sst s10  }
0x38: {  	s10 =	sld [smem:$0x3FB7]  }
0x39: {  	_ = 	snop;
	(pc) =	sbr.ind lr, $3  }
0x3a: {  	_ = 	snop  }
0x3b: {  	_ = 	snop  }
0x3c: {  	p2 =	seq.s32 s10, $0x1;
	s10 =	sld [smem:$0x3FB6]  }
0x3d: {  	_ =	shalt  }
0x3e: {  	_ =	shalt  }
0x3f: {  	_ =	shalt  }
0x40: {  	_ =	shalt  }
0x41: {  	_ =	shalt  }
0x42: {  	_ =	shalt  }
0x43: {  	_ =	shalt  }
0x44: {  	_ =	shalt  }
0x45: {  	_ =	shalt  }
0x46: {  	_ =	shalt  }
0x47: {  	_ =	shalt  }
0x48: {  	_ =	shalt  }
0x49: {  	_ =	shalt  }
0x4a: {  	_ =	shalt  }
0x4b: {  	_ =	shalt  }
0x4c: {  	_ =	shalt  }
0x4d: {  	_ =	shalt  }
0x4e: {  	_ =	shalt  }
0x4f: {  	_ =	shalt  }
0x50: {  	_ =	shalt  }
0x51: {  	_ =	shalt  }
0x52: {  	_ =	shalt  }
0x53: {  	_ =	shalt  }
0x54: {  	_ =	shalt  }
0x55: {  	_ =	shalt  }
0x56: {  	_ =	shalt  }
0x57: {  	_ =	shalt  }
0x58: {  	_ =	shalt  }
0x59: {  	_ =	shalt  }
0x5a: {  	_ =	shalt  }
0x5b: {  	_ =	shalt  }
0x5c: {  	_ =	shalt  }
0x5d: {  	_ =	shalt  }
0x5e: {  	_ =	shalt  }
0x5f: {  	_ =	shalt  }
0x60: {  	_ =	shalt  }
0x61: {  	_ =	shalt  }
0x62: {  	_ =	shalt  }
0x63: {  	_ =	shalt  }
0x64: {  	_ =	shalt  }
0x65: {  	_ =	shalt  }
0x66: {  	_ =	shalt  }
0x67: {  	_ =	shalt  }
0x68: {  	_ =	shalt  }
0x69: {  	_ =	shalt  }
0x6a: {  	_ =	shalt  }
0x6b: {  	_ =	shalt  }
0x6c: {  	_ =	shalt  }
0x6d: {  	_ =	shalt  }
0x6e: {  	_ =	shalt  }
0x6f: {  	_ =	shalt  }
0x70: {  	_ =	shalt  }
0x71: {  	_ =	shalt  }
0x72: {  	_ =	shalt  }
0x73: {  	_ =	shalt  }
0x74: {  	_ =	shalt  }
0x75: {  	_ =	shalt  }
0x76: {  	_ =	shalt  }
0x77: {  	_ =	shalt  }
0x78: {  	_ =	shalt  }
0x79: {  	_ =	shalt  }
0x7a: {  	_ =	shalt  }
0x7b: {  	_ =	shalt  }
0x7c: {  	_ =	shalt  }
0x7d: {  	_ =	shalt  }
0x7e: {  	_ =	shalt  }
0x7f: {  	_ =	shalt  }
0x80: {  	_ =	shalt  }
0x81: {  	_ =	shalt  }
0x82: {  	_ =	shalt  }
0x83: {  	_ =	shalt  }
0x84: {  	_ =	shalt  }
0x85: {  	_ =	shalt  }
0x86: {  	_ =	shalt  }
0x87: {  	_ =	shalt  }
.Lfunc_end0:
.L_simem_size_0:
called_computation.2_lowered:
.L_overlay_start_0:
0x88: {  	s2 =	sld [smem:$0x3FD9]  }
0x89: {  	s3 =	sld [smem:$0x3FFE];
	_ =	sdelay $0x1  }
0x8a: {  	s1 =	srdreg.scid  }
0x8b: {  	s0 =	sand.u32 $0x1, s1  }
0x8c: {  	s16 =	sshll.u32 s0, $0xA;
	s2 =	sadd.s32 s3, s2  }
0x8d: {  	s2 =	sadd.s32 s2, s16  }
0x8e: {  	[smem:$0x3FC2] =	sst s2  }
0x8f: {  	_ = 	snop  }
0x90: {  	(tm) =	ssettm $0x1  }
0x91: {  	s17 =	sld [smem:$0x3FFB];
	_ =	sdelay $0x3  }
0x92: {  	_ =	strace s17  }
0x93: {  	s2 =	sld [smem:$0x3FFC];
	_ =	sdelay $0x3  }
0x94: {  	_ =	strace s2  }
0x95: {  	s2 =	sld [smem:$0x3FFD];
	_ =	sdelay $0x3  }
0x96: {  	_ =	strace s2  }
0x97: {  	_ =	strace $0x8FFFFFFF  }
0x98: {  	s18 =	sld [smem:$0x3FDB];
	_ =	sdelay $0x1  }
0x99: {  	s19 =	simm.s32 $_scs_section_size  }
0x9a: {  	s4 =	simm.s32 $_size__tile_overlayer_lowered;
	s5 =	simm.s32 $_tile_overlayer_lowered  }
0x9b: {  	s22 =	simm.s32 $0x1BFF;
	s21 =	sshll.u32 s5, $0x1;
	s2 =	sadd.s32 s19, s18  }
0x9c: {  	s6 =	simm.s32 $0x0;
	s20 =	sshll.u32 s4, $0x1;
	s4 =	sadd.s32 s21, s2  }
0x9d: {  	[timem:s6], [sflag:s22] =	dma.local [hbm:s4], s20  }
0x9e: {  	_ =	swait.ge [sflag:s22], s20  }
0x9f: {  	s3 =	ssub.s32 $0x0, s20;
	[sflag:s22] =	ssyncset.done $0x0  }
0xa0: {  	[sflag:s22] =	ssyncadd.s32 s3;
	_ =	sdelay $0x1  }
0xa1: {  	s23 =	simm.s32 $0x1B8B  }
0xa2: {  	_ =	swait.ge [sflag:s23], $0x1  }
0xa3: {  	[sflag:s23] =	ssyncset.done $0x0  }
0xa4: {  	s25 =	simm.s32 $0x1B8E;
	s24 =	sld [smem:$0x3FFE];
	[sflag:s23] =	ssyncadd.s32 $0xFFFFFFFF  }
0xa5: {  	s26 =	simm.s32 $execute0_lowered;
	[smem:$0x3FD2] =	sst s25  }
0xa6: {  	s4 =	sshll.u32 s26, $0x1;
	_ =	strace $0x8000004C;
	[dreg:$0x1] =	wrdreg $0xFFFFFFFF  }
0xa7: {  	s28 =	simm.s32 $_size_execute0_lowered;
	s2 =	sadd.s32 s2, s4;
	[dreg:$0x0] =	wrdreg $0x0  }
0xa8: {  	s4 =	sshll.u32 s28, $0x1;
	[dreg:$0x2] =	wrdreg s2  }
0xa9: {  	[dreg:$0x3] =	wrdreg s4  }
0xaa: {  	[dreg:$0x4] =	wrdreg $0xC0  }
0xab: {  	_ =	task [dreg:s6], $0x5FFFF  }
0xac: {  	[dreg:$0x1] =	wrdreg $0xFFFFFFFF  }
0xad: {  	[dreg:$0x0] =	wrdreg $0x60  }
0xae: {  	[dreg:$0x2] =	wrdreg s24  }
0xaf: {  	[dreg:$0x3] =	wrdreg $0x167900  }
0xb0: {  	[dreg:$0x4] =	wrdreg $0x9  }
0xb1: {  	_ =	task.clear_ibuf [dreg:s6], $0x5FFFF;
	_ =	strace $0x9000004C  }
0xb2: {  	s29 =	simm.s32 $0x9;
	_ =	strace $0x8000004E  }
0xb3: {  	_ =	swait.ge [sflag:s29], $0x1  }
0xb4: {  	[sflag:s29] =	ssyncadd.s32 $0xFFFFFFFF  }
0xb5: {  	_ =	strace $0x9000004E  }
0xb6: {  	_ =	sfence  }
0xb7: {  	s30 =	sld [smem:$0x0];
	_ =	sdelay $0x2  }
0xb8: {  	s31 =	sshll.u32 s1, $0xD;
	s1 =	sshrl.u32 s1, $0x2  }
0xb9: {  	s3 =	sand.u32 $0x4000, s31;
	s1 =	sadd.s32 s1, s30  }
0xba: {  	s0 =	sor.u32 s3, s0;
	s1 =	sshll.u32 s1, $0x11  }
0xbb: {  	s0 =	sor.u32 s1, s0  }
0xbc: {  	s0 =	sadd.s32 $0x8F2B, s0  }
0xbd: {  	[sflag:s0] =	ssyncadd.remote.s32 $0x1  }
0xbe: {  	_ =	sfence.sel $0xFFFF  }
0xbf: {  	[dreg:$0x0] =	wrdreg $0xFFFFFFFF;
	(pc) =	sbr.abs _section_cstart, $3  }
0xc0: {  	[dreg:$0x1] =	wrdreg $0xFFFFFFFF  }
0xc1: {  	_ =	task.clear_ibuf [dreg:s6], $0x2FFFF;
	_ =	strace $0x9FFFFFFF  }
0xc2: {  	(tm) =	ssettm $0x7FFFFFFF  }
0xc3: {  	_ =	shalt  }
tec
execute0_lowered:
.L_overlay_start_1:
0x0: {  	(tag) =	ssettag $0x1  }
0x1: {  	s0 =	srdreg.scid  }
0x2: {  	s9 =	stileid.u32;
	s5 =	rddreg [dreg:$0x0]  }
0x3: {  	s2 =	rddreg [dreg:$0x1];
	s3 =	simm.s32 $0x0;
	s19 =	simm.s32 $0x1388  }
0x4: {  	s16 =	simm.s32 $0x4;
	s17 =	simm.s32 $0x3;
	s18 =	simm.s32 $0x80  }
0x5: {  	s11 =	simm.s32 $0x1;
	s12 =	simm.s32 $0x0;
	s0 =	sand.u32 $0x1, s0  }
0x6: {  	[smem:$0x7FF] =	sst s3;
	s6 =	smul.u32 $0x2800, s9;
	s1 =	sshll.u32 s0, $0x4  }
0x7: {  	s4 =	smul.u32 $0x28000, s0;
	s0 =	ssub.s32 $0x2, s0;
	s1 =	sor.u32 s9, s1  }
0x8: {  	s8 =	sshrl.u32 s0, $0x1;
	s9 =	smul.u32 $0xA000, s9;
	s25 =	sadd.s32 s6, s2  }
0x9: {  	_ =	strace $0x8000004D;
	s0 =	ssub.s32 s0, s8;
	s31 =	sshrl.u32 s25, $0x3  }
0xa: {  	s22 =	sshrl.u32 s9, $0x2;
	s0 =	smax.u32 s0, $0x1;
	[dreg:$0xc] =	wrdreg s31  }
0xb: {  	s1 =	smul.u32 $0x1388, s1;
	s23 =	sadd.s32 s22, s2;
	[dreg:$0x7] =	wrdreg s0  }
0xc: {  	s4 =	sadd.s32 s6, s4;
	s26 =	sadd.s32 $0x800, s23;
	[dreg:$0x5] =	wrdreg s23  }
0xd: {  	s7 =	sshrl.u32 s4, $0x3;
	s28 =	sadd.s32 $0x1000, s23;
	[dreg:$0x8] =	wrdreg s26  }
0xe: {  	s1 =	sshrl.u32 s1, $0x3;
	s29 =	sadd.s32 $0x1800, s23;
	[dreg:$0x9] =	wrdreg s28  }
0xf: {  	s1 =	sadd.s32 s1, s5;
	s30 =	sadd.s32 $0x2000, s23;
	[dreg:$0xa] =	wrdreg s29  }
0x10: {  	s4 =	sadd.s32 $0xC200, s5;
	s21 =	sadd.s32 $0x2400, s1;
	[dreg:$0xb] =	wrdreg s30  }
0x11: {  	s5 =	sadd.s32 s7, s5;
	s1 =	sadd.s32 $0x7220, s1;
	[dreg:$0x3] =	wrdreg s21  }
0x12: {  	s14 =	simm.s32 $0x15710;
	s24 =	sadd.s32 $0x11200, s5;
	[dreg:$0x4] =	wrdreg s1  }
0x13: {  	v0 =	vimm.f32 $0.0e+00;
	s10 =	simm.s32 $0x15F10;
	s9 =	simm.s32 $0x14F10;
	[dreg:$0x6] =	wrdreg s24  }
.LBB2_1:
0x14: {  	s13 =	rddreg [dreg:$0x3]  }
0x15: {  	[tilespmem:s3], [sflag:$0x3] =	stream.linear.gather [hbm4b:s13+s3], $0x1388, $0x38;
	[tilespmem:$0x18F90] =	vst v63  }
0x16: {  	s31 =	rddreg [dreg:$0x4]  }
0x17: {  	[tilespmem:s19], [sflag:$0x3] =	stream.linear.gather [hbm4b:s31+s3], $0x1388, $0x38;
	[tilespmem:$0x18F90] =	vst v63  }
0x18: {  	s13 =	simm.s32 $0x40;
	s19 =	simm.s32 $0x0  }
.LBB2_2:
0x19: {  	p0 =	sne.s32 s13, $0x1FC0;
	[tilespmem:s19+$0x15F90] =	vst v0;
	s19 =	smov.u32 s13;
	s13 =	sadd.s32 $0x40, s13  }
.Ltmp0:
0x1a: {  	(pc) =	sbr.rel @p0 .LBB2_2-.Ltmp0, $2  }
0x1b: {  	_ =	sdelay $0x2  }
0x1c: {  	s19 =	sshra.s32 s19, $0x2  }
0x1d: {  	[tilespmem:s19+$0x15F90] =	vst v0;
	s13 =	rddreg [dreg:$0x5];
	s0 =	simm.s32 $0x15F90  }
0x1e: {  	[spmem:s13] =	stream.linear.scatter [tilespmem:s0], [sflag:$0x4], $0x800, $0x38;
	[tilespmem:$0x18F90] =	vst v63  }
0x1f: {  	_ =	swait.ge [sflag:s16], $0x800  }
0x20: {  	[sflag:s16] =	ssyncset.done $0x0  }
0x21: {  	s8 =	rddreg [dreg:$0x8];
	[sflag:s16] =	ssyncadd.s32 $0xFFFFF800  }
0x22: {  	[spmem:s8] =	stream.linear.scatter [tilespmem:s0], [sflag:$0x4], $0x800, $0x38;
	[tilespmem:$0x18F90] =	vst v63  }
0x23: {  	_ =	swait.ge [sflag:s16], $0x800  }
0x24: {  	[sflag:s16] =	ssyncset.done $0x0  }
0x25: {  	s15 =	rddreg [dreg:$0x9];
	[sflag:s16] =	ssyncadd.s32 $0xFFFFF800  }
0x26: {  	[spmem:s15] =	stream.linear.scatter [tilespmem:s0], [sflag:$0x4], $0x800, $0x38;
	[tilespmem:$0x18F90] =	vst v63  }
0x27: {  	_ =	swait.ge [sflag:s16], $0x800  }
0x28: {  	[sflag:s16] =	ssyncset.done $0x0  }
0x29: {  	s19 =	rddreg [dreg:$0xa];
	[sflag:s16] =	ssyncadd.s32 $0xFFFFF800  }
0x2a: {  	[spmem:s19] =	stream.linear.scatter [tilespmem:s0], [sflag:$0x4], $0x800, $0x38;
	[tilespmem:$0x18F90] =	vst v63  }
0x2b: {  	_ =	swait.ge [sflag:s16], $0x800  }
0x2c: {  	[sflag:s16] =	ssyncset.done $0x0  }
0x2d: {  	s20 =	rddreg [dreg:$0xb];
	[sflag:s16] =	ssyncadd.s32 $0xFFFFF800  }
0x2e: {  	[spmem:s20] =	stream.linear.scatter [tilespmem:s0], [sflag:$0x4], $0x800, $0x38;
	[tilespmem:$0x18F90] =	vst v63  }
0x2f: {  	_ =	swait.ge [sflag:s16], $0x800  }
0x30: {  	[sflag:s16] =	ssyncset.done $0x0  }
0x31: {  	[sflag:s16] =	ssyncadd.s32 $0xFFFFF800  }
0x32: {  	_ =	swait.ge [sflag:s17], $0x1388  }
0x33: {  	[sflag:s17] =	ssyncset.done $0x0  }
0x34: {  	[sflag:s17] =	ssyncadd.s32 $0xFFFFEC78  }
0x35: {  	_ =	swait.ge [sflag:s17], $0x1388  }
0x36: {  	[sflag:s17] =	ssyncset.done $0x0  }
0x37: {  	[sflag:s17] =	ssyncadd.s32 $0xFFFFEC78  }
0x38: {  	s19 =	simm.s32 $0x2710;
	[bflag:$0x0] =	sbarrier.arrive $0xFFFF  }
0x39: {  	[tilespmem:s19], [sflag:$0x1] =	stream.indirect.gather [hbm4b:s4+s18], $0x10, s3, s18, $0xb8;
	[tilespmem:$0x18F90] =	vst v63  }
0x3a: {  	s20 =	simm.s32 $0x2F10  }
0x3b: {  	[tilespmem:s20], [sflag:$0x1] =	stream.indirect.gather [hbm4b:s4+s18], $0x10, s18, s18, $0xb8;
	[tilespmem:$0x18F90] =	vst v63  }
0x3c: {  	s21 =	simm.s32 $0x100;
	s22 =	simm.s32 $0x3710  }
0x3d: {  	[tilespmem:s22], [sflag:$0x1] =	stream.indirect.gather [hbm4b:s4+s18], $0x10, s21, s18, $0xb8;
	[tilespmem:$0x18F90] =	vst v63  }
0x3e: {  	s23 =	simm.s32 $0x180;
	s24 =	simm.s32 $0x3F10  }
0x3f: {  	[tilespmem:s24], [sflag:$0x1] =	stream.indirect.gather [hbm4b:s4+s18], $0x10, s23, s18, $0xb8;
	[tilespmem:$0x18F90] =	vst v63  }
0x40: {  	s25 =	simm.s32 $0x200;
	s28 =	simm.s32 $0x4710  }
0x41: {  	[tilespmem:s28], [sflag:$0x1] =	stream.indirect.gather [hbm4b:s4+s18], $0x10, s25, s18, $0xb8;
	[tilespmem:$0x18F90] =	vst v63  }
0x42: {  	s26 =	simm.s32 $0x280;
	s30 =	simm.s32 $0x4F10  }
0x43: {  	[tilespmem:s30], [sflag:$0x1] =	stream.indirect.gather [hbm4b:s4+s18], $0x10, s26, s18, $0xb8;
	[tilespmem:$0x18F90] =	vst v63  }
0x44: {  	s29 =	simm.s32 $0x300;
	s25 =	simm.s32 $0x5710  }
0x45: {  	[tilespmem:s25], [sflag:$0x1] =	stream.indirect.gather [hbm4b:s4+s18], $0x10, s29, s18, $0xb8;
	[tilespmem:$0x18F90] =	vst v63  }
0x46: {  	s31 =	simm.s32 $0x380;
	s1 =	simm.s32 $0x5F10  }
0x47: {  	[tilespmem:s1], [sflag:$0x1] =	stream.indirect.gather [hbm4b:s4+s18], $0x10, s31, s18, $0xb8;
	[tilespmem:$0x18F90] =	vst v63  }
0x48: {  	s0 =	simm.s32 $0x400;
	s21 =	simm.s32 $0x6710  }
0x49: {  	[tilespmem:s21], [sflag:$0x1] =	stream.indirect.gather [hbm4b:s4+s18], $0x10, s0, s18, $0xb8;
	[tilespmem:$0x18F90] =	vst v63  }
0x4a: {  	s3 =	simm.s32 $0x480;
	s26 =	simm.s32 $0x6F10  }
0x4b: {  	[tilespmem:s26], [sflag:$0x1] =	stream.indirect.gather [hbm4b:s4+s18], $0x10, s3, s18, $0xb8;
	[tilespmem:$0x18F90] =	vst v63  }
0x4c: {  	s5 =	simm.s32 $0x500;
	s3 =	simm.s32 $0x7710  }
0x4d: {  	[tilespmem:s3], [sflag:$0x1] =	stream.indirect.gather [hbm4b:s4+s18], $0x10, s5, s18, $0xb8;
	[tilespmem:$0x18F90] =	vst v63  }
0x4e: {  	s6 =	simm.s32 $0x580;
	s31 =	simm.s32 $0x7F10  }
0x4f: {  	[tilespmem:s31], [sflag:$0x1] =	stream.indirect.gather [hbm4b:s4+s18], $0x10, s6, s18, $0xb8;
	[tilespmem:$0x18F90] =	vst v63  }
0x50: {  	s7 =	simm.s32 $0x600;
	s23 =	simm.s32 $0x8710  }
0x51: {  	[tilespmem:s23], [sflag:$0x1] =	stream.indirect.gather [hbm4b:s4+s18], $0x10, s7, s18, $0xb8;
	[tilespmem:$0x18F90] =	vst v63  }
0x52: {  	s8 =	simm.s32 $0x680;
	s0 =	simm.s32 $0x8F10  }
0x53: {  	[tilespmem:s0], [sflag:$0x1] =	stream.indirect.gather [hbm4b:s4+s18], $0x10, s8, s18, $0xb8;
	[tilespmem:$0x18F90] =	vst v63  }
0x54: {  	s15 =	simm.s32 $0x700;
	s29 =	simm.s32 $0x9710  }
0x55: {  	[tilespmem:s29], [sflag:$0x1] =	stream.indirect.gather [hbm4b:s4+s18], $0x10, s15, s18, $0xb8;
	[tilespmem:$0x18F90] =	vst v63  }
0x56: {  	s5 =	simm.s32 $0x780;
	s7 =	simm.s32 $0x9F10  }
0x57: {  	[tilespmem:s7], [sflag:$0x1] =	stream.indirect.gather [hbm4b:s4+s18], $0x10, s5, s18, $0xb8;
	[tilespmem:$0x18F90] =	vst v63  }
0x58: {  	s6 =	simm.s32 $0x800;
	s5 =	simm.s32 $0xA710  }
0x59: {  	[tilespmem:s5], [sflag:$0x1] =	stream.indirect.gather [hbm4b:s4+s18], $0x10, s6, s18, $0xb8;
	[tilespmem:$0x18F90] =	vst v63  }
0x5a: {  	s8 =	simm.s32 $0x880;
	s6 =	simm.s32 $0xAF10  }
0x5b: {  	[tilespmem:s6], [sflag:$0x1] =	stream.indirect.gather [hbm4b:s4+s18], $0x10, s8, s18, $0xb8;
	[tilespmem:$0x18F90] =	vst v63  }
0x5c: {  	s15 =	simm.s32 $0x900;
	s8 =	simm.s32 $0xB710  }
0x5d: {  	[tilespmem:s8], [sflag:$0x1] =	stream.indirect.gather [hbm4b:s4+s18], $0x10, s15, s18, $0xb8;
	[tilespmem:$0x18F90] =	vst v63  }
0x5e: {  	_ =	swait.ge [sflag:s11], $0x9800  }
0x5f: {  	[sflag:s11] =	ssyncset.done $0x0  }
0x60: {  	s15 =	simm.s32 $0x1388;
	[sflag:s11] =	ssyncadd.s32 $0xFFFF6800  }
0x61: {  	[spmem:s2] =	stream.indirect.scatter.add.f32 [tilespmem:s19], [sflag:$0x2], $0x10, s15, s18, $0xb8;
	[tilespmem:$0x18F90] =	vst v63  }
0x62: {  	s19 =	simm.s32 $0x1408  }
0x63: {  	[spmem:s2] =	stream.indirect.scatter.add.f32 [tilespmem:s20], [sflag:$0x2], $0x10, s19, s18, $0xb8;
	[tilespmem:$0x18F90] =	vst v63  }
0x64: {  	s20 =	simm.s32 $0x1488  }
0x65: {  	[spmem:s2] =	stream.indirect.scatter.add.f32 [tilespmem:s22], [sflag:$0x2], $0x10, s20, s18, $0xb8;
	[tilespmem:$0x18F90] =	vst v63  }
0x66: {  	s22 =	simm.s32 $0x1508  }
0x67: {  	[spmem:s2] =	stream.indirect.scatter.add.f32 [tilespmem:s24], [sflag:$0x2], $0x10, s22, s18, $0xb8;
	[tilespmem:$0x18F90] =	vst v63  }
0x68: {  	s24 =	simm.s32 $0x1588  }
0x69: {  	[spmem:s2] =	stream.indirect.scatter.add.f32 [tilespmem:s28], [sflag:$0x2], $0x10, s24, s18, $0xb8;
	[tilespmem:$0x18F90] =	vst v63  }
0x6a: {  	s28 =	simm.s32 $0x1608  }
0x6b: {  	[spmem:s2] =	stream.indirect.scatter.add.f32 [tilespmem:s30], [sflag:$0x2], $0x10, s28, s18, $0xb8;
	[tilespmem:$0x18F90] =	vst v63  }
0x6c: {  	s15 =	simm.s32 $0x1688  }
0x6d: {  	[spmem:s2] =	stream.indirect.scatter.add.f32 [tilespmem:s25], [sflag:$0x2], $0x10, s15, s18, $0xb8;
	[tilespmem:$0x18F90] =	vst v63  }
0x6e: {  	s19 =	simm.s32 $0x1708  }
0x6f: {  	[spmem:s2] =	stream.indirect.scatter.add.f32 [tilespmem:s1], [sflag:$0x2], $0x10, s19, s18, $0xb8;
	[tilespmem:$0x18F90] =	vst v63  }
0x70: {  	s20 =	simm.s32 $0x1788  }
0x71: {  	[spmem:s2] =	stream.indirect.scatter.add.f32 [tilespmem:s21], [sflag:$0x2], $0x10, s20, s18, $0xb8;
	[tilespmem:$0x18F90] =	vst v63  }
0x72: {  	s21 =	simm.s32 $0x1808  }
0x73: {  	[spmem:s2] =	stream.indirect.scatter.add.f32 [tilespmem:s26], [sflag:$0x2], $0x10, s21, s18, $0xb8;
	[tilespmem:$0x18F90] =	vst v63  }
0x74: {  	s22 =	simm.s32 $0x1888  }
0x75: {  	[spmem:s2] =	stream.indirect.scatter.add.f32 [tilespmem:s3], [sflag:$0x2], $0x10, s22, s18, $0xb8;
	[tilespmem:$0x18F90] =	vst v63  }
0x76: {  	s24 =	simm.s32 $0x1908  }
0x77: {  	[spmem:s2] =	stream.indirect.scatter.add.f32 [tilespmem:s31], [sflag:$0x2], $0x10, s24, s18, $0xb8;
	[tilespmem:$0x18F90] =	vst v63  }
0x78: {  	s25 =	simm.s32 $0x1988  }
0x79: {  	[spmem:s2] =	stream.indirect.scatter.add.f32 [tilespmem:s23], [sflag:$0x2], $0x10, s25, s18, $0xb8;
	[tilespmem:$0x18F90] =	vst v63  }
0x7a: {  	s26 =	simm.s32 $0x1A08  }
0x7b: {  	[spmem:s2] =	stream.indirect.scatter.add.f32 [tilespmem:s0], [sflag:$0x2], $0x10, s26, s18, $0xb8;
	[tilespmem:$0x18F90] =	vst v63  }
0x7c: {  	s28 =	simm.s32 $0x1A88  }
0x7d: {  	[spmem:s2] =	stream.indirect.scatter.add.f32 [tilespmem:s29], [sflag:$0x2], $0x10, s28, s18, $0xb8;
	[tilespmem:$0x18F90] =	vst v63  }
0x7e: {  	s30 =	simm.s32 $0x1B08  }
0x7f: {  	[spmem:s2] =	stream.indirect.scatter.add.f32 [tilespmem:s7], [sflag:$0x2], $0x10, s30, s18, $0xb8;
	[tilespmem:$0x18F90] =	vst v63  }
0x80: {  	s31 =	simm.s32 $0x1B88  }
0x81: {  	[spmem:s2] =	stream.indirect.scatter.add.f32 [tilespmem:s5], [sflag:$0x2], $0x10, s31, s18, $0xb8;
	[tilespmem:$0x18F90] =	vst v63  }
0x82: {  	s1 =	simm.s32 $0x1C08  }
0x83: {  	[spmem:s2] =	stream.indirect.scatter.add.f32 [tilespmem:s6], [sflag:$0x2], $0x10, s1, s18, $0xb8;
	[tilespmem:$0x18F90] =	vst v63  }
0x84: {  	s5 =	simm.s32 $0x1C88  }
0x85: {  	[spmem:s2] =	stream.indirect.scatter.add.f32 [tilespmem:s8], [sflag:$0x2], $0x10, s5, s18, $0xb8;
	[tilespmem:$0x18F90] =	vst v63  }
0x86: {  	s6 =	simm.s32 $0x980;
	s1 =	simm.s32 $0xBF10  }
0x87: {  	[tilespmem:s1], [sflag:$0x1] =	stream.indirect.gather [hbm4b:s4+s18], $0x10, s6, s18, $0xb8;
	[tilespmem:$0x18F90] =	vst v63  }
0x88: {  	s7 =	simm.s32 $0xA00;
	s5 =	simm.s32 $0xC710  }
0x89: {  	[tilespmem:s5], [sflag:$0x1] =	stream.indirect.gather [hbm4b:s4+s18], $0x10, s7, s18, $0xb8;
	[tilespmem:$0x18F90] =	vst v63  }
0x8a: {  	s8 =	simm.s32 $0xA80;
	s6 =	simm.s32 $0xCF10  }
0x8b: {  	[tilespmem:s6], [sflag:$0x1] =	stream.indirect.gather [hbm4b:s4+s18], $0x10, s8, s18, $0xb8;
	[tilespmem:$0x18F90] =	vst v63  }
0x8c: {  	s13 =	simm.s32 $0xB00;
	s7 =	simm.s32 $0xD710  }
0x8d: {  	[tilespmem:s7], [sflag:$0x1] =	stream.indirect.gather [hbm4b:s4+s18], $0x10, s13, s18, $0xb8;
	[tilespmem:$0x18F90] =	vst v63  }
0x8e: {  	s15 =	simm.s32 $0xB80;
	s8 =	simm.s32 $0xDF10  }
0x8f: {  	[tilespmem:s8], [sflag:$0x1] =	stream.indirect.gather [hbm4b:s4+s18], $0x10, s15, s18, $0xb8;
	[tilespmem:$0x18F90] =	vst v63  }
0x90: {  	s19 =	simm.s32 $0xC00;
	s13 =	simm.s32 $0xE710  }
0x91: {  	[tilespmem:s13], [sflag:$0x1] =	stream.indirect.gather [hbm4b:s4+s18], $0x10, s19, s18, $0xb8;
	[tilespmem:$0x18F90] =	vst v63  }
0x92: {  	s20 =	simm.s32 $0xC80;
	s19 =	simm.s32 $0xEF10  }
0x93: {  	[tilespmem:s19], [sflag:$0x1] =	stream.indirect.gather [hbm4b:s4+s18], $0x10, s20, s18, $0xb8;
	[tilespmem:$0x18F90] =	vst v63  }
0x94: {  	s21 =	simm.s32 $0xD00;
	s20 =	simm.s32 $0xF710  }
0x95: {  	[tilespmem:s20], [sflag:$0x1] =	stream.indirect.gather [hbm4b:s4+s18], $0x10, s21, s18, $0xb8;
	[tilespmem:$0x18F90] =	vst v63  }
0x96: {  	s22 =	simm.s32 $0xD80;
	s21 =	simm.s32 $0xFF10  }
0x97: {  	[tilespmem:s21], [sflag:$0x1] =	stream.indirect.gather [hbm4b:s4+s18], $0x10, s22, s18, $0xb8;
	[tilespmem:$0x18F90] =	vst v63  }
0x98: {  	s23 =	simm.s32 $0xE00;
	s22 =	simm.s32 $0x10710  }
0x99: {  	[tilespmem:s22], [sflag:$0x1] =	stream.indirect.gather [hbm4b:s4+s18], $0x10, s23, s18, $0xb8;
	[tilespmem:$0x18F90] =	vst v63  }
0x9a: {  	s24 =	simm.s32 $0xE80;
	s23 =	simm.s32 $0x10F10  }
0x9b: {  	[tilespmem:s23], [sflag:$0x1] =	stream.indirect.gather [hbm4b:s4+s18], $0x10, s24, s18, $0xb8;
	[tilespmem:$0x18F90] =	vst v63  }
0x9c: {  	s25 =	simm.s32 $0xF00;
	s24 =	simm.s32 $0x11710  }
0x9d: {  	[tilespmem:s24], [sflag:$0x1] =	stream.indirect.gather [hbm4b:s4+s18], $0x10, s25, s18, $0xb8;
	[tilespmem:$0x18F90] =	vst v63  }
0x9e: {  	s26 =	simm.s32 $0xF80;
	s25 =	simm.s32 $0x11F10  }
0x9f: {  	[tilespmem:s25], [sflag:$0x1] =	stream.indirect.gather [hbm4b:s4+s18], $0x10, s26, s18, $0xb8;
	[tilespmem:$0x18F90] =	vst v63  }
0xa0: {  	s28 =	simm.s32 $0x1000;
	s26 =	simm.s32 $0x12710  }
0xa1: {  	[tilespmem:s26], [sflag:$0x1] =	stream.indirect.gather [hbm4b:s4+s18], $0x10, s28, s18, $0xb8;
	[tilespmem:$0x18F90] =	vst v63  }
0xa2: {  	s29 =	simm.s32 $0x1080;
	s28 =	simm.s32 $0x12F10  }
0xa3: {  	[tilespmem:s28], [sflag:$0x1] =	stream.indirect.gather [hbm4b:s4+s18], $0x10, s29, s18, $0xb8;
	[tilespmem:$0x18F90] =	vst v63  }
0xa4: {  	s30 =	simm.s32 $0x1100;
	s29 =	simm.s32 $0x13710  }
0xa5: {  	[tilespmem:s29], [sflag:$0x1] =	stream.indirect.gather [hbm4b:s4+s18], $0x10, s30, s18, $0xb8;
	[tilespmem:$0x18F90] =	vst v63  }
0xa6: {  	s31 =	simm.s32 $0x1180;
	s30 =	simm.s32 $0x13F10  }
0xa7: {  	[tilespmem:s30], [sflag:$0x1] =	stream.indirect.gather [hbm4b:s4+s18], $0x10, s31, s18, $0xb8;
	[tilespmem:$0x18F90] =	vst v63  }
0xa8: {  	s15 =	simm.s32 $0x1200;
	s31 =	simm.s32 $0x14710  }
0xa9: {  	[tilespmem:s31], [sflag:$0x1] =	stream.indirect.gather [hbm4b:s4+s18], $0x10, s15, s18, $0xb8;
	[tilespmem:$0x18F90] =	vst v63  }
0xaa: {  	s15 =	simm.s32 $0x1280  }
0xab: {  	[tilespmem:s9], [sflag:$0x1] =	stream.indirect.gather [hbm4b:s4+s18], $0x10, s15, s18, $0xb8;
	[tilespmem:$0x18F90] =	vst v63  }
0xac: {  	s15 =	simm.s32 $0x1300  }
0xad: {  	[tilespmem:s14], [sflag:$0x1] =	stream.indirect.gather [hbm4b:s4+s18], $0x10, s15, s18, $0xb8;
	[tilespmem:$0x18F90] =	vst v63  }
0xae: {  	s0 =	simm.s32 $0x8;
	s15 =	simm.s32 $0x1380  }
0xaf: {  	[tilespmem:s10], [sflag:$0x1] =	stream.indirect.gather [hbm4b:s4+s0], $0x10, s15, s0, $0xb8;
	[tilespmem:$0x18F90] =	vst v63  }
0xb0: {  	_ =	swait.ge [sflag:s11], $0xA080  }
0xb1: {  	[sflag:s11] =	ssyncset.done $0x0  }
0xb2: {  	s15 =	simm.s32 $0x1D08;
	[sflag:s11] =	ssyncadd.s32 $0xFFFF5F80  }
0xb3: {  	[spmem:s2] =	stream.indirect.scatter.add.f32 [tilespmem:s1], [sflag:$0x2], $0x10, s15, s18, $0xb8;
	[tilespmem:$0x18F90] =	vst v63  }
0xb4: {  	s15 =	simm.s32 $0x1D88  }
0xb5: {  	[spmem:s2] =	stream.indirect.scatter.add.f32 [tilespmem:s5], [sflag:$0x2], $0x10, s15, s18, $0xb8;
	[tilespmem:$0x18F90] =	vst v63  }
0xb6: {  	s5 =	simm.s32 $0x1E08  }
0xb7: {  	[spmem:s2] =	stream.indirect.scatter.add.f32 [tilespmem:s6], [sflag:$0x2], $0x10, s5, s18, $0xb8;
	[tilespmem:$0x18F90] =	vst v63  }
0xb8: {  	s6 =	simm.s32 $0x1E88  }
0xb9: {  	[spmem:s2] =	stream.indirect.scatter.add.f32 [tilespmem:s7], [sflag:$0x2], $0x10, s6, s18, $0xb8;
	[tilespmem:$0x18F90] =	vst v63  }
0xba: {  	s7 =	simm.s32 $0x1F08  }
0xbb: {  	[spmem:s2] =	stream.indirect.scatter.add.f32 [tilespmem:s8], [sflag:$0x2], $0x10, s7, s18, $0xb8;
	[tilespmem:$0x18F90] =	vst v63  }
0xbc: {  	s8 =	simm.s32 $0x1F88  }
0xbd: {  	[spmem:s2] =	stream.indirect.scatter.add.f32 [tilespmem:s13], [sflag:$0x2], $0x10, s8, s18, $0xb8;
	[tilespmem:$0x18F90] =	vst v63  }
0xbe: {  	s15 =	simm.s32 $0x2008  }
0xbf: {  	[spmem:s2] =	stream.indirect.scatter.add.f32 [tilespmem:s19], [sflag:$0x2], $0x10, s15, s18, $0xb8;
	[tilespmem:$0x18F90] =	vst v63  }
0xc0: {  	s19 =	simm.s32 $0x2088  }
0xc1: {  	[spmem:s2] =	stream.indirect.scatter.add.f32 [tilespmem:s20], [sflag:$0x2], $0x10, s19, s18, $0xb8;
	[tilespmem:$0x18F90] =	vst v63  }
0xc2: {  	s5 =	simm.s32 $0x2108  }
0xc3: {  	[spmem:s2] =	stream.indirect.scatter.add.f32 [tilespmem:s21], [sflag:$0x2], $0x10, s5, s18, $0xb8;
	[tilespmem:$0x18F90] =	vst v63  }
0xc4: {  	s6 =	simm.s32 $0x2188  }
0xc5: {  	[spmem:s2] =	stream.indirect.scatter.add.f32 [tilespmem:s22], [sflag:$0x2], $0x10, s6, s18, $0xb8;
	[tilespmem:$0x18F90] =	vst v63  }
0xc6: {  	s7 =	simm.s32 $0x2208  }
0xc7: {  	[spmem:s2] =	stream.indirect.scatter.add.f32 [tilespmem:s23], [sflag:$0x2], $0x10, s7, s18, $0xb8;
	[tilespmem:$0x18F90] =	vst v63  }
0xc8: {  	s8 =	simm.s32 $0x2288  }
0xc9: {  	[spmem:s2] =	stream.indirect.scatter.add.f32 [tilespmem:s24], [sflag:$0x2], $0x10, s8, s18, $0xb8;
	[tilespmem:$0x18F90] =	vst v63  }
0xca: {  	s13 =	simm.s32 $0x2308  }
0xcb: {  	[spmem:s2] =	stream.indirect.scatter.add.f32 [tilespmem:s25], [sflag:$0x2], $0x10, s13, s18, $0xb8;
	[tilespmem:$0x18F90] =	vst v63  }
0xcc: {  	s15 =	simm.s32 $0x2388  }
0xcd: {  	[spmem:s2] =	stream.indirect.scatter.add.f32 [tilespmem:s26], [sflag:$0x2], $0x10, s15, s18, $0xb8;
	[tilespmem:$0x18F90] =	vst v63  }
0xce: {  	s19 =	simm.s32 $0x2408  }
0xcf: {  	[spmem:s2] =	stream.indirect.scatter.add.f32 [tilespmem:s28], [sflag:$0x2], $0x10, s19, s18, $0xb8;
	[tilespmem:$0x18F90] =	vst v63  }
0xd0: {  	s20 =	simm.s32 $0x2488  }
0xd1: {  	[spmem:s2] =	stream.indirect.scatter.add.f32 [tilespmem:s29], [sflag:$0x2], $0x10, s20, s18, $0xb8;
	[tilespmem:$0x18F90] =	vst v63  }
0xd2: {  	s21 =	simm.s32 $0x2508  }
0xd3: {  	[spmem:s2] =	stream.indirect.scatter.add.f32 [tilespmem:s30], [sflag:$0x2], $0x10, s21, s18, $0xb8;
	[tilespmem:$0x18F90] =	vst v63  }
0xd4: {  	s22 =	simm.s32 $0x2588  }
0xd5: {  	[spmem:s2] =	stream.indirect.scatter.add.f32 [tilespmem:s31], [sflag:$0x2], $0x10, s22, s18, $0xb8;
	[tilespmem:$0x18F90] =	vst v63  }
0xd6: {  	s23 =	simm.s32 $0x2608  }
0xd7: {  	[spmem:s2] =	stream.indirect.scatter.add.f32 [tilespmem:s9], [sflag:$0x2], $0x10, s23, s18, $0xb8;
	[tilespmem:$0x18F90] =	vst v63  }
0xd8: {  	s24 =	simm.s32 $0x2688  }
0xd9: {  	[spmem:s2] =	stream.indirect.scatter.add.f32 [tilespmem:s14], [sflag:$0x2], $0x10, s24, s18, $0xb8;
	[tilespmem:$0x18F90] =	vst v63  }
0xda: {  	s25 =	simm.s32 $0x2708;
	s26 =	simm.s32 $0x2  }
0xdb: {  	[spmem:s2] =	stream.indirect.scatter.add.f32 [tilespmem:s10], [sflag:$0x2], $0x10, s25, s0, $0xb8;
	[tilespmem:$0x18F90] =	vst v63  }
0xdc: {  	_ =	swait.ge [sflag:s26], $0x13880  }
0xdd: {  	[sflag:s26] =	ssyncset.done $0x0  }
0xde: {  	[sflag:s26] =	ssyncadd.s32 $0xFFFEC780  }
0xdf: {  	s28 =	stileid.u32;
	[bflag:$0x0] =	sbarrier.arrive $0xFFFF  }
0xe0: {  	s13 =	sshll.u32 s28, $0x6;
	s29 =	rddreg [dreg:$0x6]  }
0xe1: {  	s13 =	sor.u32 $0x1C04, s13;
	s30 =	rddreg [dreg:$0xc]  }
0xe2: {  	[hbm:s29], [sflag:s13] =	dma.local [spmem:s30], $0x500  }
0xe3: {  	_ =	swait.ge [sflag:s16], $0x500  }
0xe4: {  	s12 =	sadd.s32 $0x1, s12;
	s31 =	rddreg [dreg:$0x7]  }
0xe5: {  	p0 =	sne.s32 s12, s31  }
.Ltmp1:
0xe6: {  	_ = 	snop;
	(pc) =	sbr.rel @p0 .LBB2_1-.Ltmp1, $3  }
0xe7: {  	_ =	sdelay $0x1  }
0xe8: {  	[sflag:s16] =	ssyncset.done $0x0  }
0xe9: {  	s3 =	simm.s32 $0x0;
	s19 =	simm.s32 $0x1388;
	[sflag:s16] =	ssyncadd.s32 $0xFFFFFB00  }
0xea: {  	_ =	sfence.sel $0x180000  }
0xeb: {  	[bflag:$0x0] =	sbarrier.arrive $0xFFFF  }
0xec: {  	_ =	strace $0x9000004D  }
0xed: {  	s0 =	stileid.u32;
	[bflag:$0x2] =	sbarrier.arrive $0xFFFF  }
0xee: {  	p0 =	sne.s32 s0, $0x0;
	s0 =	rddreg [dreg:$0x2]  }
0xef: {  	s0 =	sadd.s32 @!p0 $0x100000, s0  }
0xf0: {  	[sflag:s0] =	ssyncadd.tile.s32 @!p0 $0x1;
	_ =	shalt  }
.Lfunc_end2:
_tile_overlayer_lowered:
.L_overlay_start_2:
0xf1: {  	(tag) =	ssettag $0x2  }
0xf2: {  	s0 =	rddreg [dreg:$0x0];
	s2 =	stileid.u32  }
0xf3: {  	s1 =	rddreg [dreg:$0x1];
	p0 =	sne.s32 s2, $0x0  }
0xf4: {  	s3 =	rddreg [dreg:$0x2];
	[bflag:$0x3] =	sbarrier.arrive $0xFFFF;
	s2 =	simm.s32 @!p0 $0x1C04  }
0xf5: {  	[timem:s3], [sflag:s2] =	dma.local @!p0 [hbm:s0], s1  }
0xf6: {  	s0 =	simm.s32 @!p0 $0x4  }
0xf7: {  	_ =	swait.ge @!p0 [sflag:s0], s1  }
0xf8: {  	s1 =	ssub.s32 @!p0 $0x0, s1;
	[sflag:s0] =	ssyncset.done @!p0 $0x0  }
0xf9: {  	[sflag:s0] =	ssyncadd.s32 @!p0 s1  }
0xfa: {  	[bflag:$0x3] =	sbarrier.arrive $0xFFFF  }
0xfb: {  	_ =	shalt  }

// kernel: kernel.9.cloned.1.call-start
scs
__scs_entry_jumppad:
0x0: {  	(pc) =	sbr.rel $0x88, $3  }
0x1: {  	(tag) =	ssettag $0x0;
	lr =	simm.s32 $0x1  }
0x2: {  	[smem:$0x3F9B] =	sst lr;
	_ =	strace $0xD0000000  }
0x3: {  	_ = 	snop  }
0x4: {  	_ = 	snop  }
0x5: {  	_ = 	snop  }
0x6: {  	_ = 	snop  }
0x7: {  	_ = 	snop  }
__scs_overlays_trampoline_lowered:
0x8: {  	[smem:$0x3FAA] =	sst s0  }
0x9: {  	[smem:$0x3FAB] =	sst s1  }
0xa: {  	[smem:$0x3FAC] =	sst s2  }
0xb: {  	[smem:$0x3FAD] =	sst s3  }
0xc: {  	[smem:$0x3FAE] =	sst s4  }
0xd: {  	[smem:$0x3FAF] =	sst s5  }
0xe: {  	[smem:$0x3FB0] =	sst s6  }
0xf: {  	[smem:$0x3FB1] =	sst s7  }
0x10: {  	[smem:$0x3FB2] =	sst s8  }
0x11: {  	[smem:$0x3FB3] =	sst s9;
	s0 =	simm.s32 @!p0 $0x0  }
0x12: {  	s1 =	sld [smem:$0x3F99];
	s0 =	simm.s32 @p0 $0x1  }
0x13: {  	[smem:$0x3FB4] =	sst s0;
	s0 =	simm.s32 @!p1 $0x0  }
0x14: {  	s2 =	sld [smem:$0x3F98];
	s0 =	simm.s32 @p1 $0x1  }
0x15: {  	[smem:$0x3FB5] =	sst s0;
	s0 =	simm.s32 @!p2 $0x0  }
0x16: {  	s3 =	sld [smem:$0x3FDB];
	s0 =	simm.s32 @p2 $0x1  }
0x17: {  	s4 =	simm.s32 $0x1BF5;
	[smem:$0x3FB7] =	sst s0  }
0x18: {  	s0 =	sld [smem:$0x3F9A];
	_ =	swait.ge [sflag:s4], $0x0  }
0x19: {  	s7 =	sld [smem:$0x3F9B]  }
0x1a: {  	s8 =	sadd.s32 $0xFFFFE003, lr  }
0x1b: {  	s9 =	sadd.s32 $0xFFFFFEF7, lr;
	s5 =	simm.s32 $0xFFFFFFFF;
	p2 =	slt.u32 s8, $0xFFFFF086  }
0x1c: {  	p1 =	slt.u32 s9, $0xF7A;
	s5 =	simm.s32 @!p2 $0x0  }
0x1d: {  	s5 =	simm.s32 @p1 $0x1;
	p0 =	seq.s32 s7, s2  }
0x1e: {  	s7 =	smul.u32 @!p0 $0xF7A, s2;
	p2 =	seq.s32 @!p0 s5, $0x0  }
0x1f: {  	s9 =	smul.u32 $0xF7A, s1;
	s8 =	simm.s32 @!p0 $0x1BF5;
	p2 =	por !p2, p0  }
0x20: {  	[sflag:s8] =	ssyncset.s32 @!p0 $0xFFFFF086;
	s6 =	sadd.s32 @!p0 s3, s7;
	s7 =	simm.s32 @!p0 $0x108  }
0x21: {  	s3 =	sadd.s32 s3, s9;
	s6 =	sadd.s32 @!p0 $0x88, s6;
	s7 =	simm.s32 @p2 $0x1082  }
0x22: {  	[simem:s7], [sflag:s8] =	dma.local @!p0 [hbm:s6], $0xF7A  }
0x23: {  	s9 =	sor.u32 $0xD0000000, s2;
	s6 =	simm.s32 $0x108;
	_ =	swait.ge @!p0 [sflag:s8], $0x0  }
0x24: {  	s3 =	sadd.s32 $0x88, s3;
	s6 =	simm.s32 @!p1 $0x1082;
	[sflag:s4] =	ssyncset.s32 $0xFFFFF086  }
0x25: {  	[simem:s6], [sflag:s4] =	dma.local [hbm:s3], $0xF7A  }
0x26: {  	[smem:$0x3F9B] =	sst s1;
	(tag) =	ssettag s2;
	_ =	strace s9  }
0x27: {  	s1 =	sld [smem:$0x3FAB]  }
0x28: {  	s2 =	sld [smem:$0x3FAC]  }
0x29: {  	s4 =	sld [smem:$0x3FAE]  }
0x2a: {  	p0 =	seq.s32 s5, $0x0;
	s5 =	sld [smem:$0x3FAF]  }
0x2b: {  	s6 =	sld [smem:$0x3FB0]  }
0x2c: {  	s7 =	sld [smem:$0x3FB1]  }
0x2d: {  	s3 =	simm.s32 $0x108;
	s8 =	sld [smem:$0x3FB2]  }
0x2e: {  	s3 =	simm.s32 @!p0 $0x1082;
	s9 =	sld [smem:$0x3FB3]  }
0x2f: {  	lr =	sadd.s32 s0, s3;
	s0 =	sld [smem:$0x3FAA]  }
0x30: {  	s3 =	sld [smem:$0x3FAD]  }
0x31: {  	[smem:$0x3FB6] =	sst s10  }
0x32: {  	s10 =	sld [smem:$0x3FB4];
	_ =	sdelay $0x3  }
0x33: {  	p0 =	seq.s32 s10, $0x1;
	s10 =	sld [smem:$0x3FB6];
	_ =	sdelay $0x3  }
0x34: {  	[smem:$0x3FB6] =	sst s10  }
0x35: {  	s10 =	sld [smem:$0x3FB5];
	_ =	sdelay $0x3  }
0x36: {  	p1 =	seq.s32 s10, $0x1;
	s10 =	sld [smem:$0x3FB6];
	_ =	sdelay $0x3  }
0x37: {  	[smem:$0x3FB6] =	sst s10  }
0x38: {  	s10 =	sld [smem:$0x3FB7]  }
0x39: {  	_ = 	snop;
	(pc) =	sbr.ind lr, $3  }
0x3a: {  	_ = 	snop  }
0x3b: {  	_ = 	snop  }
0x3c: {  	p2 =	seq.s32 s10, $0x1;
	s10 =	sld [smem:$0x3FB6]  }
0x3d: {  	_ =	shalt  }
0x3e: {  	_ =	shalt  }
0x3f: {  	_ =	shalt  }
0x40: {  	_ =	shalt  }
0x41: {  	_ =	shalt  }
0x42: {  	_ =	shalt  }
0x43: {  	_ =	shalt  }
0x44: {  	_ =	shalt  }
0x45: {  	_ =	shalt  }
0x46: {  	_ =	shalt  }
0x47: {  	_ =	shalt  }
0x48: {  	_ =	shalt  }
0x49: {  	_ =	shalt  }
0x4a: {  	_ =	shalt  }
0x4b: {  	_ =	shalt  }
0x4c: {  	_ =	shalt  }
0x4d: {  	_ =	shalt  }
0x4e: {  	_ =	shalt  }
0x4f: {  	_ =	shalt  }
0x50: {  	_ =	shalt  }
0x51: {  	_ =	shalt  }
0x52: {  	_ =	shalt  }
0x53: {  	_ =	shalt  }
0x54: {  	_ =	shalt  }
0x55: {  	_ =	shalt  }
0x56: {  	_ =	shalt  }
0x57: {  	_ =	shalt  }
0x58: {  	_ =	shalt  }
0x59: {  	_ =	shalt  }
0x5a: {  	_ =	shalt  }
0x5b: {  	_ =	shalt  }
0x5c: {  	_ =	shalt  }
0x5d: {  	_ =	shalt  }
0x5e: {  	_ =	shalt  }
0x5f: {  	_ =	shalt  }
0x60: {  	_ =	shalt  }
0x61: {  	_ =	shalt  }
0x62: {  	_ =	shalt  }
0x63: {  	_ =	shalt  }
0x64: {  	_ =	shalt  }
0x65: {  	_ =	shalt  }
0x66: {  	_ =	shalt  }
0x67: {  	_ =	shalt  }
0x68: {  	_ =	shalt  }
0x69: {  	_ =	shalt  }
0x6a: {  	_ =	shalt  }
0x6b: {  	_ =	shalt  }
0x6c: {  	_ =	shalt  }
0x6d: {  	_ =	shalt  }
0x6e: {  	_ =	shalt  }
0x6f: {  	_ =	shalt  }
0x70: {  	_ =	shalt  }
0x71: {  	_ =	shalt  }
0x72: {  	_ =	shalt  }
0x73: {  	_ =	shalt  }
0x74: {  	_ =	shalt  }
0x75: {  	_ =	shalt  }
0x76: {  	_ =	shalt  }
0x77: {  	_ =	shalt  }
0x78: {  	_ =	shalt  }
0x79: {  	_ =	shalt  }
0x7a: {  	_ =	shalt  }
0x7b: {  	_ =	shalt  }
0x7c: {  	_ =	shalt  }
0x7d: {  	_ =	shalt  }
0x7e: {  	_ =	shalt  }
0x7f: {  	_ =	shalt  }
0x80: {  	_ =	shalt  }
0x81: {  	_ =	shalt  }
0x82: {  	_ =	shalt  }
0x83: {  	_ =	shalt  }
0x84: {  	_ =	shalt  }
0x85: {  	_ =	shalt  }
0x86: {  	_ =	shalt  }
0x87: {  	_ =	shalt  }
.Lfunc_end0:
.L_simem_size_0:
called_computation_lowered:
.L_overlay_start_0:
0x88: {  	s2 =	sld [smem:$0x3FD9]  }
0x89: {  	s3 =	sld [smem:$0x3FFE];
	_ =	sdelay $0x1  }
0x8a: {  	s1 =	srdreg.scid  }
0x8b: {  	s0 =	sand.u32 $0x1, s1  }
0x8c: {  	s16 =	sshll.u32 s0, $0xA;
	s2 =	sadd.s32 s3, s2  }
0x8d: {  	s2 =	sadd.s32 s2, s16  }
0x8e: {  	[smem:$0x3FC2] =	sst s2  }
0x8f: {  	_ = 	snop  }
0x90: {  	(tm) =	ssettm $0x1  }
0x91: {  	s17 =	sld [smem:$0x3FFB];
	_ =	sdelay $0x3  }
0x92: {  	_ =	strace s17  }
0x93: {  	s2 =	sld [smem:$0x3FFC];
	_ =	sdelay $0x3  }
0x94: {  	_ =	strace s2  }
0x95: {  	s2 =	sld [smem:$0x3FFD];
	_ =	sdelay $0x3  }
0x96: {  	_ =	strace s2  }
0x97: {  	_ =	strace $0x8FFFFFFF  }
0x98: {  	s18 =	sld [smem:$0x3FDB];
	_ =	sdelay $0x1  }
0x99: {  	s19 =	simm.s32 $_scs_section_size  }
0x9a: {  	s4 =	simm.s32 $_size__tile_overlayer_lowered;
	s5 =	simm.s32 $_tile_overlayer_lowered  }
0x9b: {  	s22 =	simm.s32 $0x1BFF;
	s21 =	sshll.u32 s5, $0x1;
	s2 =	sadd.s32 s19, s18  }
0x9c: {  	s6 =	simm.s32 $0x0;
	s20 =	sshll.u32 s4, $0x1;
	s4 =	sadd.s32 s21, s2  }
0x9d: {  	[timem:s6], [sflag:s22] =	dma.local [hbm:s4], s20  }
0x9e: {  	_ =	swait.ge [sflag:s22], s20  }
0x9f: {  	s3 =	ssub.s32 $0x0, s20;
	[sflag:s22] =	ssyncset.done $0x0  }
0xa0: {  	[sflag:s22] =	ssyncadd.s32 s3;
	_ =	sdelay $0x1  }
0xa1: {  	s23 =	simm.s32 $0x1B8B  }
0xa2: {  	_ =	swait.ge [sflag:s23], $0x1  }
0xa3: {  	[sflag:s23] =	ssyncset.done $0x0  }
0xa4: {  	s25 =	simm.s32 $0x1B8E;
	s24 =	sld [smem:$0x3FFE];
	[sflag:s23] =	ssyncadd.s32 $0xFFFFFFFF  }
0xa5: {  	s26 =	simm.s32 $execute0_lowered;
	[smem:$0x3FD2] =	sst s25  }
0xa6: {  	s4 =	sshll.u32 s26, $0x1;
	_ =	strace $0x80000046;
	[dreg:$0x1] =	wrdreg $0xFFFFFFFF  }
0xa7: {  	s28 =	simm.s32 $_size_execute0_lowered;
	s2 =	sadd.s32 s2, s4;
	[dreg:$0x0] =	wrdreg $0x0  }
0xa8: {  	s4 =	sshll.u32 s28, $0x1;
	[dreg:$0x2] =	wrdreg s2  }
0xa9: {  	[dreg:$0x3] =	wrdreg s4  }
0xaa: {  	[dreg:$0x4] =	wrdreg $0xC0  }
0xab: {  	_ =	task [dreg:s6], $0x5FFFF  }
0xac: {  	[dreg:$0x1] =	wrdreg $0xFFFFFFFF  }
0xad: {  	[dreg:$0x0] =	wrdreg $0x60  }
0xae: {  	[dreg:$0x2] =	wrdreg s24  }
0xaf: {  	[dreg:$0x3] =	wrdreg $0x3F500  }
0xb0: {  	[dreg:$0x4] =	wrdreg $0x9  }
0xb1: {  	_ =	task.clear_ibuf [dreg:s6], $0x5FFFF;
	_ =	strace $0x90000046  }
0xb2: {  	s29 =	simm.s32 $0x9;
	_ =	strace $0x80000048  }
0xb3: {  	_ =	swait.ge [sflag:s29], $0x1  }
0xb4: {  	[sflag:s29] =	ssyncadd.s32 $0xFFFFFFFF  }
0xb5: {  	_ =	strace $0x90000048  }
0xb6: {  	_ =	sfence  }
0xb7: {  	s30 =	sld [smem:$0x0];
	_ =	sdelay $0x2  }
0xb8: {  	s31 =	sshll.u32 s1, $0xD;
	s1 =	sshrl.u32 s1, $0x2  }
0xb9: {  	s3 =	sand.u32 $0x4000, s31;
	s1 =	sadd.s32 s1, s30  }
0xba: {  	s0 =	sor.u32 s3, s0;
	s1 =	sshll.u32 s1, $0x11  }
0xbb: {  	s0 =	sor.u32 s1, s0  }
0xbc: {  	s0 =	sadd.s32 $0x8F2B, s0  }
0xbd: {  	[sflag:s0] =	ssyncadd.remote.s32 $0x1  }
0xbe: {  	_ =	sfence.sel $0xFFFF  }
0xbf: {  	[dreg:$0x0] =	wrdreg $0xFFFFFFFF;
	(pc) =	sbr.abs _section_cstart, $3  }
0xc0: {  	[dreg:$0x1] =	wrdreg $0xFFFFFFFF  }
0xc1: {  	_ =	task.clear_ibuf [dreg:s6], $0x2FFFF;
	_ =	strace $0x9FFFFFFF  }
0xc2: {  	(tm) =	ssettm $0x7FFFFFFF  }
0xc3: {  	_ =	shalt  }
tec
execute0_lowered:
.L_overlay_start_1:
0x0: {  	(tag) =	ssettag $0x1  }
0x1: {  	s0 =	srdreg.scid;
	s5 =	rddreg [dreg:$0x0]  }
0x2: {  	s2 =	rddreg [dreg:$0x1];
	s3 =	simm.s32 $0x0;
	s11 =	simm.s32 $0x80  }
0x3: {  	s12 =	simm.s32 $0x2710;
	s13 =	simm.s32 $0x10;
	s14 =	simm.s32 $0x2700  }
0x4: {  	s15 =	simm.s32 $0x1;
	s16 =	simm.s32 $0x2A10;
	s17 =	simm.s32 $0x2B50  }
0x5: {  	s18 =	simm.s32 $0x0;
	s4 =	sand.u32 $0x1, s0;
	s0 =	stileid.u32  }
0x6: {  	[smem:$0x7FF] =	sst s3;
	s1 =	sshll.u32 s4, $0x4;
	s8 =	smul.u32 $0x2710, s0  }
0x7: {  	s4 =	ssub.s32 $0x2, s4;
	s9 =	smul.u32 $0xA00, s0;
	s6 =	sor.u32 s0, s1  }
0x8: {  	s1 =	rddreg [dreg:$0x2];
	s10 =	sshrl.u32 s4, $0x1;
	s7 =	smul.u32 $0x280, s6  }
0x9: {  	_ =	strace $0x80000047;
	s6 =	smul.u32 $0x500, s6;
	s10 =	ssub.s32 s4, s10  }
0xa: {  	s30 =	sshrl.u32 s8, $0x3;
	s31 =	sshrl.u32 s9, $0x2;
	s9 =	simm.s32 $0x2  }
0xb: {  	s4 =	sadd.s32 s5, s30;
	s8 =	smax.u32 s10, $0x1;
	s10 =	simm.s32 $0x2790  }
0xc: {  	s7 =	sadd.s32 s7, s5;
	s6 =	sshrl.u32 s6, $0x2;
	s4 =	sadd.s32 $0x7220, s4  }
0xd: {  	v0 =	vimm.f32 $1.000000000e+00;
	v1 =	vimm.f32 $0.0e+00;
	s5 =	sadd.s32 s31, s2;
	s6 =	sadd.s32 s6, s2;
	s7 =	sadd.s32 $0xC200, s7  }
.LBB2_1:
0xe: {  	[tilespmem:$0x2710] =	vst v0  }
0xf: {  	[tilespmem:$0x2720] =	vst v0  }
0x10: {  	[tilespmem:$0x2730] =	vst v0  }
0x11: {  	[tilespmem:$0x2740] =	vst v0  }
0x12: {  	[tilespmem:$0x2750] =	vst v0  }
0x13: {  	[tilespmem:$0x2760] =	vst v0  }
0x14: {  	[tilespmem:$0x2770] =	vst v0  }
0x15: {  	[tilespmem:$0x2780] =	vst v0  }
0x16: {  	[tilespmem:$0x2790] =	vst v1  }
0x17: {  	[tilespmem:$0x27A0] =	vst v1  }
0x18: {  	[tilespmem:$0x27B0] =	vst v1  }
0x19: {  	[tilespmem:$0x27C0] =	vst v1  }
0x1a: {  	[tilespmem:$0x27D0] =	vst v1  }
0x1b: {  	[tilespmem:$0x27E0] =	vst v1  }
0x1c: {  	[tilespmem:$0x27F0] =	vst v1  }
0x1d: {  	[tilespmem:$0x2800] =	vst v1  }
0x1e: {  	[tilespmem:$0x2810] =	vst v1  }
0x1f: {  	[tilespmem:$0x2820] =	vst v1  }
0x20: {  	[tilespmem:$0x2830] =	vst v1  }
0x21: {  	[tilespmem:$0x2840] =	vst v1  }
0x22: {  	[tilespmem:$0x2850] =	vst v1  }
0x23: {  	[tilespmem:$0x2860] =	vst v1  }
0x24: {  	[tilespmem:$0x2870] =	vst v1  }
0x25: {  	[tilespmem:$0x2880] =	vst v1  }
0x26: {  	[tilespmem:$0x2890] =	vst v1  }
0x27: {  	[tilespmem:$0x28A0] =	vst v1  }
0x28: {  	[tilespmem:$0x28B0] =	vst v1  }
0x29: {  	[tilespmem:$0x28C0] =	vst v1  }
0x2a: {  	[tilespmem:$0x28D0] =	vst v1  }
0x2b: {  	[tilespmem:$0x28E0] =	vst v1  }
0x2c: {  	[tilespmem:$0x28F0] =	vst v1  }
0x2d: {  	[tilespmem:$0x2900] =	vst v1  }
0x2e: {  	[tilespmem:$0x2910] =	vst v1  }
0x2f: {  	[tilespmem:$0x2920] =	vst v1  }
0x30: {  	[tilespmem:$0x2930] =	vst v1  }
0x31: {  	[tilespmem:$0x2940] =	vst v1  }
0x32: {  	[tilespmem:$0x2950] =	vst v1  }
0x33: {  	[tilespmem:$0x2960] =	vst v1  }
0x34: {  	[tilespmem:$0x2970] =	vst v1  }
0x35: {  	[tilespmem:$0x2980] =	vst v1  }
0x36: {  	[tilespmem:$0x2990] =	vst v1  }
0x37: {  	[tilespmem:$0x29A0] =	vst v1  }
0x38: {  	[tilespmem:$0x29B0] =	vst v1  }
0x39: {  	[tilespmem:$0x29C0] =	vst v1  }
0x3a: {  	[tilespmem:$0x29D0] =	vst v1  }
0x3b: {  	[tilespmem:$0x29E0] =	vst v1  }
0x3c: {  	[tilespmem:$0x29F0] =	vst v1  }
0x3d: {  	[tilespmem:$0x2A00] =	vst v1  }
0x3e: {  	[tilespmem:s3], [sflag:$0x2] =	stream.linear.gather [hbm4b:s4+s3], $0x2710, $0x38;
	[tilespmem:$0x41D0] =	vst v63  }
0x3f: {  	_ =	swait.ge [sflag:s9], $0x2710  }
0x40: {  	[sflag:s9] =	ssyncset.done $0x0  }
0x41: {  	[sflag:s9] =	ssyncadd.s32 $0xFFFFD8F0  }
0x42: {  	[spmem:s5] =	stream.linear.scatter [tilespmem:s10], [sflag:$0x2], $0x280, $0x38;
	[tilespmem:$0x41D0] =	vst v63  }
0x43: {  	_ =	swait.ge [sflag:s9], $0x280  }
0x44: {  	[sflag:s9] =	ssyncset.done $0x0  }
0x45: {  	[sflag:s9] =	ssyncadd.s32 $0xFFFFFD80  }
0x46: {  	s19 =	simm.s32 $0x200;
	s20 =	simm.s32 $0x0;
	[bflag:$0x0] =	sbarrier.arrive $0xFFFF  }
.LBB2_2:
0x47: {  	[spmem:s2] =	stream.indirect.scatter.add.f32 [tilespmem:s12], [sflag:$0x1], $0x1, s20, s11, $0xb8;
	[tilespmem:$0x41D0] =	vst v63  }
0x48: {  	s20 =	smov.u32 s19;
	p0 =	sne.s32 s19, $0x9A00  }
.Ltmp0:
0x49: {  	s19 =	sadd.s32 $0x200, s19;
	(pc) =	sbr.rel @p0 .LBB2_2-.Ltmp0, $2  }
0x4a: {  	_ =	sdelay $0x2  }
0x4b: {  	s20 =	sshra.s32 s20, $0x2  }
0x4c: {  	[spmem:s2] =	stream.indirect.scatter.add.f32 [tilespmem:s12], [sflag:$0x1], $0x1, s20, s11, $0xb8;
	[tilespmem:$0x41D0] =	vst v63  }
0x4d: {  	_ = 	snop  }
0x4e: {  	[spmem:s2] =	stream.indirect.scatter.add.f32 [tilespmem:s12], [sflag:$0x1], $0x1, s14, s13, $0xb8;
	[tilespmem:$0x41D0] =	vst v63  }
0x4f: {  	_ =	swait.ge [sflag:s15], $0x80  }
0x50: {  	s19 =	simm.s32 $0x4D;
	[sflag:s15] =	ssyncset.done $0x0  }
.LBB2_4:
0x51: {  	p0 =	sne.s32 s19, $0x1;
	s19 =	sadd.s32 $0xFFFFFFFF, s19;
	[sflag:s15] =	ssyncadd.s32 $0xFFFFFF80  }
.Ltmp1:
0x52: {  	(pc) =	sbr.rel @p0 .LBB2_4-.Ltmp1, $3  }
0x53: {  	_ =	sdelay $0x1  }
0x54: {  	_ =	swait.ge [sflag:s15], $0x80  }
0x55: {  	[sflag:s15] =	ssyncset.done $0x0  }
0x56: {  	[sflag:s15] =	ssyncadd.s32 $0xFFFFFF80  }
0x57: {  	_ =	swait.ge [sflag:s15], $0x10  }
0x58: {  	[sflag:s15] =	ssyncset.done $0x0  }
0x59: {  	[sflag:s15] =	ssyncadd.s32 $0xFFFFFFF0  }
0x5a: {  	[bflag:$0x0] =	sbarrier.arrive $0xFFFF  }
0x5b: {  	[tilespmem:s16], [sflag:$0x2] =	stream.linear.gather [spmem:s6], $0x140, $0x38;
	[tilespmem:$0x41D0] =	vst v63  }
0x5c: {  	_ =	swait.ge [sflag:s9], $0x140  }
0x5d: {  	s19 =	simm.s32 $0x0;
	[sflag:s9] =	ssyncset.done $0x0  }
0x5e: {  	s20 =	simm.s32 $0x0;
	s21 =	simm.s32 $0x40;
	[sflag:s9] =	ssyncadd.s32 $0xFFFFFEC0  }
.LBB2_6:
0x5f: {  	p0 =	sne.s32 s21, $0x4C0;
	v2 =	vld [tilespmem:s20+$0x2A10];
	_ =	sdelay $0x4  }
0x60: {  	v2 =	vadd.f32 $1.000000000e+00, v2;
	_ =	sdelay $0x1  }
0x61: {  	v3 =	vshrl.u32 v2, $0x1;
	v2 =	vmul.f32 $-5.000000000e-01, v2  }
0x62: {  	v3 =	vsub.s32 $0x5F3759DF, v3  }
0x63: {  	v4 =	vmul.f32 v3, v2;
	_ =	sdelay $0x1  }
0x64: {  	v4 =	vmul.f32 v3, v4;
	_ =	sdelay $0x1  }
0x65: {  	v4 =	vadd.f32 $1.500000000e+00, v4;
	_ =	sdelay $0x1  }
0x66: {  	v3 =	vmul.f32 v3, v4;
	_ =	sdelay $0x1  }
0x67: {  	v4 =	vmul.f32 v3, v2;
	_ =	sdelay $0x1  }
0x68: {  	v4 =	vmul.f32 v4, v3;
	_ =	sdelay $0x1  }
0x69: {  	v4 =	vadd.f32 $1.500000000e+00, v4;
	_ =	sdelay $0x1  }
0x6a: {  	v3 =	vmul.f32 v4, v3;
	_ =	sdelay $0x1  }
0x6b: {  	v2 =	vmul.f32 v3, v2;
	_ =	sdelay $0x1  }
0x6c: {  	v2 =	vmul.f32 v2, v3;
	_ =	sdelay $0x1  }
.Ltmp2:
0x6d: {  	v2 =	vadd.f32 $1.500000000e+00, v2;
	(pc) =	sbr.rel @p0 .LBB2_6-.Ltmp2, $3  }
0x6e: {  	_ = 	snop  }
0x6f: {  	v2 =	vmul.f32 v2, v3;
	_ =	sdelay $0x1  }
0x70: {  	[tilespmem:s20+$0x2A10] =	vst v2;
	s20 =	sshra.s32 s21, $0x2;
	s21 =	sadd.s32 $0x40, s21  }
0x71: {  	v2 =	vld [tilespmem:s20+$0x2A10];
	_ =	sdelay $0x4  }
0x72: {  	v2 =	vadd.f32 $1.000000000e+00, v2;
	_ =	sdelay $0x1  }
0x73: {  	v3 =	vshrl.u32 v2, $0x1;
	v2 =	vmul.f32 $-5.000000000e-01, v2  }
0x74: {  	v3 =	vsub.s32 $0x5F3759DF, v3  }
0x75: {  	v4 =	vmul.f32 v3, v2;
	_ =	sdelay $0x1  }
0x76: {  	v4 =	vmul.f32 v3, v4;
	_ =	sdelay $0x1  }
0x77: {  	v4 =	vadd.f32 $1.500000000e+00, v4;
	_ =	sdelay $0x1  }
0x78: {  	v3 =	vmul.f32 v3, v4;
	_ =	sdelay $0x1  }
0x79: {  	v4 =	vmul.f32 v3, v2;
	_ =	sdelay $0x1  }
0x7a: {  	v4 =	vmul.f32 v4, v3;
	_ =	sdelay $0x1  }
0x7b: {  	v4 =	vadd.f32 $1.500000000e+00, v4;
	_ =	sdelay $0x1  }
0x7c: {  	v3 =	vmul.f32 v4, v3;
	_ =	sdelay $0x1  }
0x7d: {  	v2 =	vmul.f32 v3, v2;
	_ =	sdelay $0x1  }
0x7e: {  	v2 =	vmul.f32 v2, v3;
	_ =	sdelay $0x1  }
0x7f: {  	v4 =	vmov s19;
	v2 =	vadd.f32 $1.500000000e+00, v2;
	_ =	sdelay $0x1  }
0x80: {  	v2 =	vmul.f32 v2, v3;
	_ =	sdelay $0x1  }
0x81: {  	[tilespmem:s20+$0x2A10] =	vst v2  }
0x82: {  	s30 =	simm.s32 $0x1;
	v2 =	vld.idx.msk [tilespmem:v4+s16+$0x0], $0xffff  }
0x83: {  	v3 =	vmov s30;
	_ =	sdelay $0x2  }
0x84: {  	s19 =	simm.s32 $0x2B50  }
0x85: {  	[tilespmem:s19+$0x0] =	vst v2  }
0x86: {  	s31 =	simm.s32 $0x2;
	v2 =	vld.idx.msk [tilespmem:v3+s16+$0x0], $0xffff  }
0x87: {  	s20 =	simm.s32 $0x3;
	v3 =	vmov s31  }
.LBB2_8:
0x88: {  	p0 =	sne.s32 s20, $0x13F;
	_ =	sdelay $0x1  }
.Ltmp3:
0x89: {  	s19 =	sadd.s32 $0x10, s19;
	(pc) =	sbr.rel @p0 .LBB2_8-.Ltmp3, $3  }
0x8a: {  	[tilespmem:s19+$0x0] =	vst v2  }
0x8b: {  	v2 =	vld.idx.msk [tilespmem:v3+s16+$0x0], $0xffff;
	_ =	sdelay $0x1  }
0x8c: {  	v3 =	vmov s20;
	s20 =	sadd.s32 $0x1, s20  }
0x8d: {  	_ =	sdelay $0x1  }
0x8e: {  	s19 =	sadd.s32 $0x10, s19  }
0x8f: {  	[tilespmem:s19+$0x0] =	vst v2  }
0x90: {  	v2 =	vld.idx.msk [tilespmem:v3+s16+$0x0], $0xffff;
	_ =	sdelay $0x2  }
0x91: {  	s18 =	sadd.s32 $0x1, s18  }
0x92: {  	p0 =	sne.s32 s18, s8;
	s19 =	sadd.s32 $0x10, s19  }
.Ltmp4:
0x93: {  	[tilespmem:s19+$0x0] =	vst v2;
	(pc) =	sbr.rel @p0 .LBB2_1-.Ltmp4, $4  }
0x94: {  	[hbm4b:s7+s3] =	stream.linear.scatter [tilespmem:s17], [sflag:$0x2], $0x1400, $0x38;
	[tilespmem:$0x41D0] =	vst v63  }
0x95: {  	_ =	swait.ge [sflag:s9], $0x1400  }
0x96: {  	[sflag:s9] =	ssyncset.done $0x0  }
0x97: {  	[sflag:s9] =	ssyncadd.s32 $0xFFFFEC00  }
0x98: {  	_ =	sfence.sel $0x180000  }
0x99: {  	[bflag:$0x0] =	sbarrier.arrive $0xFFFF  }
0x9a: {  	p0 =	sne.s32 s0, $0x0;
	_ =	strace $0x90000047  }
0x9b: {  	s0 =	sadd.s32 @!p0 $0x100000, s1;
	[bflag:$0x2] =	sbarrier.arrive $0xFFFF  }
0x9c: {  	[sflag:s0] =	ssyncadd.tile.s32 @!p0 $0x1;
	_ =	shalt  }
.Lfunc_end2:
_tile_overlayer_lowered:
.L_overlay_start_2:
0x9d: {  	(tag) =	ssettag $0x2  }
0x9e: {  	s0 =	rddreg [dreg:$0x0];
	s2 =	stileid.u32  }
0x9f: {  	s1 =	rddreg [dreg:$0x1];
	p0 =	sne.s32 s2, $0x0  }
0xa0: {  	s3 =	rddreg [dreg:$0x2];
	[bflag:$0x3] =	sbarrier.arrive $0xFFFF;
	s2 =	simm.s32 @!p0 $0x1C02  }
0xa1: {  	[timem:s3], [sflag:s2] =	dma.local @!p0 [hbm:s0], s1  }
0xa2: {  	s0 =	simm.s32 @!p0 $0x2  }
0xa3: {  	_ =	swait.ge @!p0 [sflag:s0], s1  }
0xa4: {  	s1 =	ssub.s32 @!p0 $0x0, s1;
	[sflag:s0] =	ssyncset.done @!p0 $0x0  }
0xa5: {  	[sflag:s0] =	ssyncadd.s32 @!p0 s1  }
0xa6: {  	[bflag:$0x3] =	sbarrier.arrive $0xFFFF  }
0xa7: {  	_ =	shalt  }

</sc_bundles>
